<compile_context>
chip_gen: v7x
topology: tpu7x:2x2x1
jax: 0.10.2.dev20260603
libtpu: 0.0.44.dev20260713+nightly
codegen_flags: <defaults>
</compile_context>

<pallas_src>
import functools

import jax
import jax.numpy as jnp
from jax import lax
from jax.experimental import pallas as pl
from jax.experimental.pallas import tpu as pltpu
from jax.experimental.pallas import tpu_sc as plsc

RING = 8


def _sc_geometry():
    try:
        info = plsc.get_sparse_core_info()
        return info.num_cores, info.num_subcores
    except Exception:
        return 2, 16


@functools.lru_cache(maxsize=None)
def _build(B, V, D, nc, ns):
    nw = nc * ns
    b_per_w = B // nw
    n_groups = b_per_w // RING
    mesh = plsc.VectorSubcoreMesh(core_axis_name="c", subcore_axis_name="s")

    @functools.partial(
        pl.kernel,
        mesh=mesh,
        out_type=jax.ShapeDtypeStruct((D, B), jnp.float32),
        scratch_types=[
            pltpu.VMEM((b_per_w + 16,), jnp.int32),
            pltpu.VMEM((RING, D, 128), jnp.float32),
            pltpu.VMEM((D, b_per_w), jnp.float32),
        ]
        + [pltpu.SemaphoreType.DMA] * RING,
        compiler_params=pltpu.CompilerParams(
            use_tc_tiling_on_sc=True, needs_layout_passes=False
        ),
    )
    def k(idx_hbm, tab_t_hbm, out_t_hbm, idx_vm, ring_v, osg_v, *sems):
        wid = lax.axis_index("s") * nc + lax.axis_index("c")
        base = wid * b_per_w
        pltpu.sync_copy(idx_hbm.at[pl.ds(base, b_per_w)], idx_vm.at[pl.ds(0, b_per_w)])

        rows16 = [lax.iota(jnp.int32, 16) + 16 * t for t in range(D // 16)]

        def fetch(i, r):
            col = pl.multiple_of((i >> 7) << 7, 128)
            pltpu.async_copy(
                tab_t_hbm.at[:, pl.ds(col, 128)], ring_v.at[r], sems[r]
            )

        v0 = idx_vm[pl.ds(0, 16)]
        for r in range(RING):
            fetch(v0[r], r)

        def body(o, _):
            v = idx_vm[pl.ds(o * RING, 16)]
            for r in range(RING):
                pltpu.make_async_copy(
                    tab_t_hbm.at[:, pl.ds(0, 128)], ring_v.at[r], sems[r]
                ).wait()
                lane = jnp.full((16,), v[r] & 127, jnp.int32)
                kk = jnp.full((16,), o * RING + r, jnp.int32)
                for t in range(D // 16):
                    g = plsc.load_gather(ring_v.at[r], [rows16[t], lane])
                    plsc.store_scatter(osg_v, [rows16[t], kk], g)

                @pl.when(o < n_groups - 1)
                def _():
                    fetch(v[RING + r], r)

            return 0

        lax.fori_loop(0, n_groups, body, 0)
        pltpu.sync_copy(osg_v, out_t_hbm.at[:, pl.ds(base, b_per_w)])

    return k


def kernel(indices, table):
    (B,) = indices.shape
    V, D = table.shape
    nc, ns = _sc_geometry()
    out_t = _build(B, V, D, nc, ns)(indices.astype(jnp.int32), table.T)
    return out_t.T

# --- scband reference (transcript-rebuilt; emitter-appended) ---
"""Pipeline reference for scband-movie-model-16724602650668 (READ-ONLY COPY).

The authoritative reference and input builder live on the scoring server;
editing this copy changes nothing except your own understanding.
"""

import jax, jax.numpy as jnp
import numpy as np

NUM_EMBEDDINGS = 1000001
EMBED_DIM = 64
BATCH = 16384


def setup_inputs(seed: int = 0) -> dict:
    key = jax.random.key(seed)
    k_idx, k_tab = jax.random.split(key)
    indices = jax.random.randint(k_idx, (BATCH,), 0, NUM_EMBEDDINGS, dtype=jnp.int64 if jax.config.read('jax_enable_x64') else jnp.int32)
    table = jax.random.normal(k_tab, (NUM_EMBEDDINGS, EMBED_DIM), dtype=jnp.float32)
    return {"indices": indices, "table": table}


def reference(indices, table):
    # StringLookup maps strings -> integer ids; here ids are given directly.
    # Embedding layer: row gather from the table.
    return jnp.take(table, indices, axis=0)

if __name__ == "__main__":
    import jax
    _d = setup_inputs()
    print(jax.jit(kernel)(*tuple(_d.values())))

</pallas_src>

<mosaic_0001>
#map = affine_map<(d0, d1) -> (0)>
#map1 = affine_map<(d0, d1) -> (0, 0)>
module attributes {stable_mosaic.version = 14 : i64} {
  func.func @k(%arg0: i32, %arg1: i32, %arg2: memref<16384xi32, #tpu.memory_space<hbm>>, %arg3: memref<64x1000001xf32, #tpu.memory_space<hbm>>, %arg4: memref<64x16384xf32, #tpu.memory_space<hbm>>, %arg5: memref<528xi32, #tpu.memory_space<vmem>>, %arg6: memref<8x64x128xf32, #tpu.memory_space<vmem>>, %arg7: memref<64x512xf32, #tpu.memory_space<vmem>>, %arg8: memref<!tpu.dma_semaphore, #tpu.memory_space<semaphore_mem>>, %arg9: memref<!tpu.dma_semaphore, #tpu.memory_space<semaphore_mem>>, %arg10: memref<!tpu.dma_semaphore, #tpu.memory_space<semaphore_mem>>, %arg11: memref<!tpu.dma_semaphore, #tpu.memory_space<semaphore_mem>>, %arg12: memref<!tpu.dma_semaphore, #tpu.memory_space<semaphore_mem>>, %arg13: memref<!tpu.dma_semaphore, #tpu.memory_space<semaphore_mem>>, %arg14: memref<!tpu.dma_semaphore, #tpu.memory_space<semaphore_mem>>, %arg15: memref<!tpu.dma_semaphore, #tpu.memory_space<semaphore_mem>>) attributes {dimension_semantics = [#tpu.dimension_semantics<core_parallel>, #tpu.dimension_semantics<subcore_parallel>], iteration_bounds = array<i64: 2, 16>, scalar_prefetch = 0 : i64, scratch_operands = 11 : i64, tpu.core_type = #tpu.core_type<sc_vector_subcore>, window_params = [{transform_indices = #map}, {transform_indices = #map1}, {transform_indices = #map1}]} {
    %mul3A = arith.constant 2 : i32
    %mul3A_0 = arith.muli %arg1, %mul3A : i32
    %add3A = arith.addi %mul3A_0, %arg0 : i32
    %mul3A_1 = arith.constant 512 : i32
    %mul3A_2 = arith.muli %add3A, %mul3A_1 : i32
    "tpu.region"() ({
      %run_scoped3A = tpu.sem_alloc : memref<!tpu.dma_semaphore, #tpu.memory_space<semaphore_mem>>
      %dma_start3A_179 = arith.constant 0 : i32
      %dma_start3A_180 = tpu.memref_slice %arg5[%dma_start3A_179] : memref<528xi32, #tpu.memory_space<vmem>> -> memref<512xi32, #tpu.memory_space<vmem>>
      %dma_start3A_181 = tpu.memref_slice %arg2[%mul3A_2] : memref<16384xi32, #tpu.memory_space<hbm>> -> memref<512xi32, #tpu.memory_space<hbm>>
      %dma_start3A_182 = arith.constant 0 : i32
      %dma_start3A_183 = tpu.memref_slice %arg5[%dma_start3A_182] : memref<528xi32, #tpu.memory_space<vmem>> -> memref<512xi32, #tpu.memory_space<vmem>>
      %dma_start3A_184 = tpu.memref_slice %arg2[%mul3A_2] : memref<16384xi32, #tpu.memory_space<hbm>> -> memref<512xi32, #tpu.memory_space<hbm>>
      tpu.enqueue_dma source(%dma_start3A_184 : memref<512xi32, #tpu.memory_space<hbm>>) target(%dma_start3A_183 : memref<512xi32, #tpu.memory_space<vmem>>) target_semaphore(%run_scoped3A : memref<!tpu.dma_semaphore, #tpu.memory_space<semaphore_mem>>)
      %dma_wait3A = arith.constant 0 : i32
      %dma_wait3A_185 = tpu.memref_slice %arg5[%dma_wait3A] : memref<528xi32, #tpu.memory_space<vmem>> -> memref<512xi32, #tpu.memory_space<vmem>>
      %dma_wait3A_186 = tpu.memref_slice %arg2[%mul3A_2] : memref<16384xi32, #tpu.memory_space<hbm>> -> memref<512xi32, #tpu.memory_space<hbm>>
      %dma_wait3A_187 = arith.constant 0 : i32
      %dma_wait3A_188 = tpu.memref_slice %arg5[%dma_wait3A_187] : memref<528xi32, #tpu.memory_space<vmem>> -> memref<512xi32, #tpu.memory_space<vmem>>
      %dma_wait3A_189 = tpu.memref_slice %arg2[%mul3A_2] : memref<16384xi32, #tpu.memory_space<hbm>> -> memref<512xi32, #tpu.memory_space<hbm>>
      tpu.wait_dma2 semaphore(%run_scoped3A : memref<!tpu.dma_semaphore, #tpu.memory_space<semaphore_mem>>) src(%dma_wait3A_189 : memref<512xi32, #tpu.memory_space<hbm>>) dst(%dma_wait3A_188 : memref<512xi32, #tpu.memory_space<vmem>>)
      tpu.yield
    }) : () -> ()
    %iota3A = tpu.iota {dimensions = array<i32: 0>} : vector<16xi32>
    %add3A_3 = arith.constant 0 : i32
    %add3A_4 = vector.broadcast %add3A_3 : i32 to vector<16xi32>
    %add3A_5 = arith.addi %iota3A, %add3A_4 : vector<16xi32>
    %iota3A_6 = tpu.iota {dimensions = array<i32: 0>} : vector<16xi32>
    %add3A_7 = arith.constant 16 : i32
    %add3A_8 = vector.broadcast %add3A_7 : i32 to vector<16xi32>
    %add3A_9 = arith.addi %iota3A_6, %add3A_8 : vector<16xi32>
    %iota3A_10 = tpu.iota {dimensions = array<i32: 0>} : vector<16xi32>
    %add3A_11 = arith.constant 32 : i32
    %add3A_12 = vector.broadcast %add3A_11 : i32 to vector<16xi32>
    %add3A_13 = arith.addi %iota3A_10, %add3A_12 : vector<16xi32>
    %iota3A_14 = tpu.iota {dimensions = array<i32: 0>} : vector<16xi32>
    %add3A_15 = arith.constant 48 : i32
    %add3A_16 = vector.broadcast %add3A_15 : i32 to vector<16xi32>
    %add3A_17 = arith.addi %iota3A_14, %add3A_16 : vector<16xi32>
    %get3A = arith.constant 0 : index
    %get3A_18 = tpu.vector_load %arg5[%get3A] {strides = array<i32>} : memref<528xi32, #tpu.memory_space<vmem>>, vector<16xi32>,
    %slice3A = vector.extract_strided_slice %get3A_18 {offsets = [0], sizes = [1], strides = [1]} : vector<16xi32> to vector<1xi32>
    %squeeze3A = vector.extract %slice3A[0] : i32 from vector<1xi32>
    %shift_right_arithmetic3A = arith.constant 7 : i32
    %shift_right_arithmetic3A_19 = arith.shrsi %squeeze3A, %shift_right_arithmetic3A : i32
    %shift_left3A = arith.constant 7 : i32
    %shift_left3A_20 = arith.shli %shift_right_arithmetic3A_19, %shift_left3A : i32
    %multiple_of3A = tpu.assume_multiple %shift_left3A_20, 128 : i32
    %dma_start3A = arith.constant 0 : i32
    %dma_start3A_21 = arith.constant 0 : i32
    %dma_start3A_22 = arith.constant 0 : i32
    %dma_start3A_23 = tpu.memref_slice %arg6[%dma_start3A, %dma_start3A_21, %dma_start3A_22] : memref<8x64x128xf32, #tpu.memory_space<vmem>> -> memref<1x64x128xf32, #tpu.memory_space<vmem>>
    %dma_start3A_24 = tpu.memref_squeeze %dma_start3A_23 : memref<1x64x128xf32, #tpu.memory_space<vmem>> -> memref<64x128xf32, #tpu.memory_space<vmem>>
    %dma_start3A_25 = arith.constant 0 : i32
    %dma_start3A_26 = tpu.memref_slice %arg3[%dma_start3A_25, %multiple_of3A] : memref<64x1000001xf32, #tpu.memory_space<hbm>> -> memref<64x128xf32, #tpu.memory_space<hbm>>
    %dma_start3A_27 = arith.constant 0 : i32
    %dma_start3A_28 = arith.constant 0 : i32
    %dma_start3A_29 = tpu.memref_slice %arg6[%dma_start3A, %dma_start3A_27, %dma_start3A_28] : memref<8x64x128xf32, #tpu.memory_space<vmem>> -> memref<1x64x128xf32, #tpu.memory_space<vmem>>
    %dma_start3A_30 = tpu.memref_squeeze %dma_start3A_29 : memref<1x64x128xf32, #tpu.memory_space<vmem>> -> memref<64x128xf32, #tpu.memory_space<vmem>>
    %dma_start3A_31 = arith.constant 0 : i32
    %dma_start3A_32 = tpu.memref_slice %arg3[%dma_start3A_31, %multiple_of3A] : memref<64x1000001xf32, #tpu.memory_space<hbm>> -> memref<64x128xf32, #tpu.memory_space<hbm>>
    tpu.enqueue_dma source(%dma_start3A_32 : memref<64x128xf32, #tpu.memory_space<hbm>>) target(%dma_start3A_30 : memref<64x128xf32, #tpu.memory_space<vmem>>) target_semaphore(%arg8 : memref<!tpu.dma_semaphore, #tpu.memory_space<semaphore_mem>>)
    %slice3A_33 = vector.extract_strided_slice %get3A_18 {offsets = [1], sizes = [1], strides = [1]} : vector<16xi32> to vector<1xi32>
    %squeeze3A_34 = vector.extract %slice3A_33[0] : i32 from vector<1xi32>
    %shift_right_arithmetic3A_35 = arith.constant 7 : i32
    %shift_right_arithmetic3A_36 = arith.shrsi %squeeze3A_34, %shift_right_arithmetic3A_35 : i32
    %shift_left3A_37 = arith.constant 7 : i32
    %shift_left3A_38 = arith.shli %shift_right_arithmetic3A_36, %shift_left3A_37 : i32
    %multiple_of3A_39 = tpu.assume_multiple %shift_left3A_38, 128 : i32
    %dma_start3A_40 = arith.constant 1 : i32
    %dma_start3A_41 = arith.constant 0 : i32
    %dma_start3A_42 = arith.constant 0 : i32
    %dma_start3A_43 = tpu.memref_slice %arg6[%dma_start3A_40, %dma_start3A_41, %dma_start3A_42] : memref<8x64x128xf32, #tpu.memory_space<vmem>> -> memref<1x64x128xf32, #tpu.memory_space<vmem>>
    %dma_start3A_44 = tpu.memref_squeeze %dma_start3A_43 : memref<1x64x128xf32, #tpu.memory_space<vmem>> -> memref<64x128xf32, #tpu.memory_space<vmem>>
    %dma_start3A_45 = arith.constant 0 : i32
    %dma_start3A_46 = tpu.memref_slice %arg3[%dma_start3A_45, %multiple_of3A_39] : memref<64x1000001xf32, #tpu.memory_space<hbm>> -> memref<64x128xf32, #tpu.memory_space<hbm>>
    %dma_start3A_47 = arith.constant 0 : i32
    %dma_start3A_48 = arith.constant 0 : i32
    %dma_start3A_49 = tpu.memref_slice %arg6[%dma_start3A_40, %dma_start3A_47, %dma_start3A_48] : memref<8x64x128xf32, #tpu.memory_space<vmem>> -> memref<1x64x128xf32, #tpu.memory_space<vmem>>
    %dma_start3A_50 = tpu.memref_squeeze %dma_start3A_49 : memref<1x64x128xf32, #tpu.memory_space<vmem>> -> memref<64x128xf32, #tpu.memory_space<vmem>>
    %dma_start3A_51 = arith.constant 0 : i32
    %dma_start3A_52 = tpu.memref_slice %arg3[%dma_start3A_51, %multiple_of3A_39] : memref<64x1000001xf32, #tpu.memory_space<hbm>> -> memref<64x128xf32, #tpu.memory_space<hbm>>
    tpu.enqueue_dma source(%dma_start3A_52 : memref<64x128xf32, #tpu.memory_space<hbm>>) target(%dma_start3A_50 : memref<64x128xf32, #tpu.memory_space<vmem>>) target_semaphore(%arg9 : memref<!tpu.dma_semaphore, #tpu.memory_space<semaphore_mem>>)
    %slice3A_53 = vector.extract_strided_slice %get3A_18 {offsets = [2], sizes = [1], strides = [1]} : vector<16xi32> to vector<1xi32>
    %squeeze3A_54 = vector.extract %slice3A_53[0] : i32 from vector<1xi32>
    %shift_right_arithmetic3A_55 = arith.constant 7 : i32
    %shift_right_arithmetic3A_56 = arith.shrsi %squeeze3A_54, %shift_right_arithmetic3A_55 : i32
    %shift_left3A_57 = arith.constant 7 : i32
    %shift_left3A_58 = arith.shli %shift_right_arithmetic3A_56, %shift_left3A_57 : i32
    %multiple_of3A_59 = tpu.assume_multiple %shift_left3A_58, 128 : i32
    %dma_start3A_60 = arith.constant 2 : i32
    %dma_start3A_61 = arith.constant 0 : i32
    %dma_start3A_62 = arith.constant 0 : i32
    %dma_start3A_63 = tpu.memref_slice %arg6[%dma_start3A_60, %dma_start3A_61, %dma_start3A_62] : memref<8x64x128xf32, #tpu.memory_space<vmem>> -> memref<1x64x128xf32, #tpu.memory_space<vmem>>
    %dma_start3A_64 = tpu.memref_squeeze %dma_start3A_63 : memref<1x64x128xf32, #tpu.memory_space<vmem>> -> memref<64x128xf32, #tpu.memory_space<vmem>>
    %dma_start3A_65 = arith.constant 0 : i32
    %dma_start3A_66 = tpu.memref_slice %arg3[%dma_start3A_65, %multiple_of3A_59] : memref<64x1000001xf32, #tpu.memory_space<hbm>> -> memref<64x128xf32, #tpu.memory_space<hbm>>
    %dma_start3A_67 = arith.constant 0 : i32
    %dma_start3A_68 = arith.constant 0 : i32
    %dma_start3A_69 = tpu.memref_slice %arg6[%dma_start3A_60, %dma_start3A_67, %dma_start3A_68] : memref<8x64x128xf32, #tpu.memory_space<vmem>> -> memref<1x64x128xf32, #tpu.memory_space<vmem>>
    %dma_start3A_70 = tpu.memref_squeeze %dma_start3A_69 : memref<1x64x128xf32, #tpu.memory_space<vmem>> -> memref<64x128xf32, #tpu.memory_space<vmem>>
    %dma_start3A_71 = arith.constant 0 : i32
    %dma_start3A_72 = tpu.memref_slice %arg3[%dma_start3A_71, %multiple_of3A_59] : memref<64x1000001xf32, #tpu.memory_space<hbm>> -> memref<64x128xf32, #tpu.memory_space<hbm>>
    tpu.enqueue_dma source(%dma_start3A_72 : memref<64x128xf32, #tpu.memory_space<hbm>>) target(%dma_start3A_70 : memref<64x128xf32, #tpu.memory_space<vmem>>) target_semaphore(%arg10 : memref<!tpu.dma_semaphore, #tpu.memory_space<semaphore_mem>>)
    %slice3A_73 = vector.extract_strided_slice %get3A_18 {offsets = [3], sizes = [1], strides = [1]} : vector<16xi32> to vector<1xi32>
    %squeeze3A_74 = vector.extract %slice3A_73[0] : i32 from vector<1xi32>
    %shift_right_arithmetic3A_75 = arith.constant 7 : i32
    %shift_right_arithmetic3A_76 = arith.shrsi %squeeze3A_74, %shift_right_arithmetic3A_75 : i32
    %shift_left3A_77 = arith.constant 7 : i32
    %shift_left3A_78 = arith.shli %shift_right_arithmetic3A_76, %shift_left3A_77 : i32
    %multiple_of3A_79 = tpu.assume_multiple %shift_left3A_78, 128 : i32
    %dma_start3A_80 = arith.constant 3 : i32
    %dma_start3A_81 = arith.constant 0 : i32
    %dma_start3A_82 = arith.constant 0 : i32
    %dma_start3A_83 = tpu.memref_slice %arg6[%dma_start3A_80, %dma_start3A_81, %dma_start3A_82] : memref<8x64x128xf32, #tpu.memory_space<vmem>> -> memref<1x64x128xf32, #tpu.memory_space<vmem>>
    %dma_start3A_84 = tpu.memref_squeeze %dma_start3A_83 : memref<1x64x128xf32, #tpu.memory_space<vmem>> -> memref<64x128xf32, #tpu.memory_space<vmem>>
    %dma_start3A_85 = arith.constant 0 : i32
    %dma_start3A_86 = tpu.memref_slice %arg3[%dma_start3A_85, %multiple_of3A_79] : memref<64x1000001xf32, #tpu.memory_space<hbm>> -> memref<64x128xf32, #tpu.memory_space<hbm>>
    %dma_start3A_87 = arith.constant 0 : i32
    %dma_start3A_88 = arith.constant 0 : i32
    %dma_start3A_89 = tpu.memref_slice %arg6[%dma_start3A_80, %dma_start3A_87, %dma_start3A_88] : memref<8x64x128xf32, #tpu.memory_space<vmem>> -> memref<1x64x128xf32, #tpu.memory_space<vmem>>
    %dma_start3A_90 = tpu.memref_squeeze %dma_start3A_89 : memref<1x64x128xf32, #tpu.memory_space<vmem>> -> memref<64x128xf32, #tpu.memory_space<vmem>>
    %dma_start3A_91 = arith.constant 0 : i32
    %dma_start3A_92 = tpu.memref_slice %arg3[%dma_start3A_91, %multiple_of3A_79] : memref<64x1000001xf32, #tpu.memory_space<hbm>> -> memref<64x128xf32, #tpu.memory_space<hbm>>
    tpu.enqueue_dma source(%dma_start3A_92 : memref<64x128xf32, #tpu.memory_space<hbm>>) target(%dma_start3A_90 : memref<64x128xf32, #tpu.memory_space<vmem>>) target_semaphore(%arg11 : memref<!tpu.dma_semaphore, #tpu.memory_space<semaphore_mem>>)
    %slice3A_93 = vector.extract_strided_slice %get3A_18 {offsets = [4], sizes = [1], strides = [1]} : vector<16xi32> to vector<1xi32>
    %squeeze3A_94 = vector.extract %slice3A_93[0] : i32 from vector<1xi32>
    %shift_right_arithmetic3A_95 = arith.constant 7 : i32
    %shift_right_arithmetic3A_96 = arith.shrsi %squeeze3A_94, %shift_right_arithmetic3A_95 : i32
    %shift_left3A_97 = arith.constant 7 : i32
    %shift_left3A_98 = arith.shli %shift_right_arithmetic3A_96, %shift_left3A_97 : i32
    %multiple_of3A_99 = tpu.assume_multiple %shift_left3A_98, 128 : i32
    %dma_start3A_100 = arith.constant 4 : i32
    %dma_start3A_101 = arith.constant 0 : i32
    %dma_start3A_102 = arith.constant 0 : i32
    %dma_start3A_103 = tpu.memref_slice %arg6[%dma_start3A_100, %dma_start3A_101, %dma_start3A_102] : memref<8x64x128xf32, #tpu.memory_space<vmem>> -> memref<1x64x128xf32, #tpu.memory_space<vmem>>
    %dma_start3A_104 = tpu.memref_squeeze %dma_start3A_103 : memref<1x64x128xf32, #tpu.memory_space<vmem>> -> memref<64x128xf32, #tpu.memory_space<vmem>>
    %dma_start3A_105 = arith.constant 0 : i32
    %dma_start3A_106 = tpu.memref_slice %arg3[%dma_start3A_105, %multiple_of3A_99] : memref<64x1000001xf32, #tpu.memory_space<hbm>> -> memref<64x128xf32, #tpu.memory_space<hbm>>
    %dma_start3A_107 = arith.constant 0 : i32
    %dma_start3A_108 = arith.constant 0 : i32
    %dma_start3A_109 = tpu.memref_slice %arg6[%dma_start3A_100, %dma_start3A_107, %dma_start3A_108] : memref<8x64x128xf32, #tpu.memory_space<vmem>> -> memref<1x64x128xf32, #tpu.memory_space<vmem>>
    %dma_start3A_110 = tpu.memref_squeeze %dma_start3A_109 : memref<1x64x128xf32, #tpu.memory_space<vmem>> -> memref<64x128xf32, #tpu.memory_space<vmem>>
    %dma_start3A_111 = arith.constant 0 : i32
    %dma_start3A_112 = tpu.memref_slice %arg3[%dma_start3A_111, %multiple_of3A_99] : memref<64x1000001xf32, #tpu.memory_space<hbm>> -> memref<64x128xf32, #tpu.memory_space<hbm>>
    tpu.enqueue_dma source(%dma_start3A_112 : memref<64x128xf32, #tpu.memory_space<hbm>>) target(%dma_start3A_110 : memref<64x128xf32, #tpu.memory_space<vmem>>) target_semaphore(%arg12 : memref<!tpu.dma_semaphore, #tpu.memory_space<semaphore_mem>>)
    %slice3A_113 = vector.extract_strided_slice %get3A_18 {offsets = [5], sizes = [1], strides = [1]} : vector<16xi32> to vector<1xi32>
    %squeeze3A_114 = vector.extract %slice3A_113[0] : i32 from vector<1xi32>
    %shift_right_arithmetic3A_115 = arith.constant 7 : i32
    %shift_right_arithmetic3A_116 = arith.shrsi %squeeze3A_114, %shift_right_arithmetic3A_115 : i32
    %shift_left3A_117 = arith.constant 7 : i32
    %shift_left3A_118 = arith.shli %shift_right_arithmetic3A_116, %shift_left3A_117 : i32
    %multiple_of3A_119 = tpu.assume_multiple %shift_left3A_118, 128 : i32
    %dma_start3A_120 = arith.constant 5 : i32
    %dma_start3A_121 = arith.constant 0 : i32
    %dma_start3A_122 = arith.constant 0 : i32
    %dma_start3A_123 = tpu.memref_slice %arg6[%dma_start3A_120, %dma_start3A_121, %dma_start3A_122] : memref<8x64x128xf32, #tpu.memory_space<vmem>> -> memref<1x64x128xf32, #tpu.memory_space<vmem>>
    %dma_start3A_124 = tpu.memref_squeeze %dma_start3A_123 : memref<1x64x128xf32, #tpu.memory_space<vmem>> -> memref<64x128xf32, #tpu.memory_space<vmem>>
    %dma_start3A_125 = arith.constant 0 : i32
    %dma_start3A_126 = tpu.memref_slice %arg3[%dma_start3A_125, %multiple_of3A_119] : memref<64x1000001xf32, #tpu.memory_space<hbm>> -> memref<64x128xf32, #tpu.memory_space<hbm>>
    %dma_start3A_127 = arith.constant 0 : i32
    %dma_start3A_128 = arith.constant 0 : i32
    %dma_start3A_129 = tpu.memref_slice %arg6[%dma_start3A_120, %dma_start3A_127, %dma_start3A_128] : memref<8x64x128xf32, #tpu.memory_space<vmem>> -> memref<1x64x128xf32, #tpu.memory_space<vmem>>
    %dma_start3A_130 = tpu.memref_squeeze %dma_start3A_129 : memref<1x64x128xf32, #tpu.memory_space<vmem>> -> memref<64x128xf32, #tpu.memory_space<vmem>>
    %dma_start3A_131 = arith.constant 0 : i32
    %dma_start3A_132 = tpu.memref_slice %arg3[%dma_start3A_131, %multiple_of3A_119] : memref<64x1000001xf32, #tpu.memory_space<hbm>> -> memref<64x128xf32, #tpu.memory_space<hbm>>
    tpu.enqueue_dma source(%dma_start3A_132 : memref<64x128xf32, #tpu.memory_space<hbm>>) target(%dma_start3A_130 : memref<64x128xf32, #tpu.memory_space<vmem>>) target_semaphore(%arg13 : memref<!tpu.dma_semaphore, #tpu.memory_space<semaphore_mem>>)
    %slice3A_133 = vector.extract_strided_slice %get3A_18 {offsets = [6], sizes = [1], strides = [1]} : vector<16xi32> to vector<1xi32>
    %squeeze3A_134 = vector.extract %slice3A_133[0] : i32 from vector<1xi32>
    %shift_right_arithmetic3A_135 = arith.constant 7 : i32
    %shift_right_arithmetic3A_136 = arith.shrsi %squeeze3A_134, %shift_right_arithmetic3A_135 : i32
    %shift_left3A_137 = arith.constant 7 : i32
    %shift_left3A_138 = arith.shli %shift_right_arithmetic3A_136, %shift_left3A_137 : i32
    %multiple_of3A_139 = tpu.assume_multiple %shift_left3A_138, 128 : i32
    %dma_start3A_140 = arith.constant 6 : i32
    %dma_start3A_141 = arith.constant 0 : i32
    %dma_start3A_142 = arith.constant 0 : i32
    %dma_start3A_143 = tpu.memref_slice %arg6[%dma_start3A_140, %dma_start3A_141, %dma_start3A_142] : memref<8x64x128xf32, #tpu.memory_space<vmem>> -> memref<1x64x128xf32, #tpu.memory_space<vmem>>
    %dma_start3A_144 = tpu.memref_squeeze %dma_start3A_143 : memref<1x64x128xf32, #tpu.memory_space<vmem>> -> memref<64x128xf32, #tpu.memory_space<vmem>>
    %dma_start3A_145 = arith.constant 0 : i32
    %dma_start3A_146 = tpu.memref_slice %arg3[%dma_start3A_145, %multiple_of3A_139] : memref<64x1000001xf32, #tpu.memory_space<hbm>> -> memref<64x128xf32, #tpu.memory_space<hbm>>
    %dma_start3A_147 = arith.constant 0 : i32
    %dma_start3A_148 = arith.constant 0 : i32
    %dma_start3A_149 = tpu.memref_slice %arg6[%dma_start3A_140, %dma_start3A_147, %dma_start3A_148] : memref<8x64x128xf32, #tpu.memory_space<vmem>> -> memref<1x64x128xf32, #tpu.memory_space<vmem>>
    %dma_start3A_150 = tpu.memref_squeeze %dma_start3A_149 : memref<1x64x128xf32, #tpu.memory_space<vmem>> -> memref<64x128xf32, #tpu.memory_space<vmem>>
    %dma_start3A_151 = arith.constant 0 : i32
    %dma_start3A_152 = tpu.memref_slice %arg3[%dma_start3A_151, %multiple_of3A_139] : memref<64x1000001xf32, #tpu.memory_space<hbm>> -> memref<64x128xf32, #tpu.memory_space<hbm>>
    tpu.enqueue_dma source(%dma_start3A_152 : memref<64x128xf32, #tpu.memory_space<hbm>>) target(%dma_start3A_150 : memref<64x128xf32, #tpu.memory_space<vmem>>) target_semaphore(%arg14 : memref<!tpu.dma_semaphore, #tpu.memory_space<semaphore_mem>>)
    %slice3A_153 = vector.extract_strided_slice %get3A_18 {offsets = [7], sizes = [1], strides = [1]} : vector<16xi32> to vector<1xi32>
    %squeeze3A_154 = vector.extract %slice3A_153[0] : i32 from vector<1xi32>
    %shift_right_arithmetic3A_155 = arith.constant 7 : i32
    %shift_right_arithmetic3A_156 = arith.shrsi %squeeze3A_154, %shift_right_arithmetic3A_155 : i32
    %shift_left3A_157 = arith.constant 7 : i32
    %shift_left3A_158 = arith.shli %shift_right_arithmetic3A_156, %shift_left3A_157 : i32
    %multiple_of3A_159 = tpu.assume_multiple %shift_left3A_158, 128 : i32
    %dma_start3A_160 = arith.constant 7 : i32
    %dma_start3A_161 = arith.constant 0 : i32
    %dma_start3A_162 = arith.constant 0 : i32
    %dma_start3A_163 = tpu.memref_slice %arg6[%dma_start3A_160, %dma_start3A_161, %dma_start3A_162] : memref<8x64x128xf32, #tpu.memory_space<vmem>> -> memref<1x64x128xf32, #tpu.memory_space<vmem>>
    %dma_start3A_164 = tpu.memref_squeeze %dma_start3A_163 : memref<1x64x128xf32, #tpu.memory_space<vmem>> -> memref<64x128xf32, #tpu.memory_space<vmem>>
    %dma_start3A_165 = arith.constant 0 : i32
    %dma_start3A_166 = tpu.memref_slice %arg3[%dma_start3A_165, %multiple_of3A_159] : memref<64x1000001xf32, #tpu.memory_space<hbm>> -> memref<64x128xf32, #tpu.memory_space<hbm>>
    %dma_start3A_167 = arith.constant 0 : i32
    %dma_start3A_168 = arith.constant 0 : i32
    %dma_start3A_169 = tpu.memref_slice %arg6[%dma_start3A_160, %dma_start3A_167, %dma_start3A_168] : memref<8x64x128xf32, #tpu.memory_space<vmem>> -> memref<1x64x128xf32, #tpu.memory_space<vmem>>
    %dma_start3A_170 = tpu.memref_squeeze %dma_start3A_169 : memref<1x64x128xf32, #tpu.memory_space<vmem>> -> memref<64x128xf32, #tpu.memory_space<vmem>>
    %dma_start3A_171 = arith.constant 0 : i32
    %dma_start3A_172 = tpu.memref_slice %arg3[%dma_start3A_171, %multiple_of3A_159] : memref<64x1000001xf32, #tpu.memory_space<hbm>> -> memref<64x128xf32, #tpu.memory_space<hbm>>
    tpu.enqueue_dma source(%dma_start3A_172 : memref<64x128xf32, #tpu.memory_space<hbm>>) target(%dma_start3A_170 : memref<64x128xf32, #tpu.memory_space<vmem>>) target_semaphore(%arg15 : memref<!tpu.dma_semaphore, #tpu.memory_space<semaphore_mem>>)
    %scan3A = arith.constant 0 : i32
    %scan3A_173 = arith.constant 0 : i32
    %scan3A_174 = arith.constant 64 : i32
    %scan3A_175 = arith.addi %scan3A_173, %scan3A_174 : i32
    %scan3A_176 = arith.constant 1 : i32
    %scan3A_177 = scf.for %scan3A_179 = %scan3A_173 to %scan3A_175 step %scan3A_176 iter_args(%scan3A_180 = %scan3A) -> (i32)  : i32 {
      %mul3A_181 = arith.constant 8 : i32
      %mul3A_182 = arith.muli %scan3A_179, %mul3A_181 : i32
      %get3A_183 = arith.index_cast %mul3A_182 : i32 to index
      %get3A_184 = tpu.vector_load %arg5[%get3A_183] {strides = array<i32>} : memref<528xi32, #tpu.memory_space<vmem>>, vector<16xi32>,
      %dma_wait3A = arith.constant 0 : i32
      %dma_wait3A_185 = arith.constant 0 : i32
      %dma_wait3A_186 = arith.constant 0 : i32
      %dma_wait3A_187 = tpu.memref_slice %arg6[%dma_wait3A, %dma_wait3A_185, %dma_wait3A_186] : memref<8x64x128xf32, #tpu.memory_space<vmem>> -> memref<1x64x128xf32, #tpu.memory_space<vmem>>
      %dma_wait3A_188 = tpu.memref_squeeze %dma_wait3A_187 : memref<1x64x128xf32, #tpu.memory_space<vmem>> -> memref<64x128xf32, #tpu.memory_space<vmem>>
      %dma_wait3A_189 = arith.constant 0 : i32
      %dma_wait3A_190 = arith.constant 0 : i32
      %dma_wait3A_191 = tpu.memref_slice %arg3[%dma_wait3A_189, %dma_wait3A_190] : memref<64x1000001xf32, #tpu.memory_space<hbm>> -> memref<64x128xf32, #tpu.memory_space<hbm>>
      %dma_wait3A_192 = arith.constant 0 : i32
      %dma_wait3A_193 = arith.constant 0 : i32
      %dma_wait3A_194 = tpu.memref_slice %arg6[%dma_wait3A, %dma_wait3A_192, %dma_wait3A_193] : memref<8x64x128xf32, #tpu.memory_space<vmem>> -> memref<1x64x128xf32, #tpu.memory_space<vmem>>
      %dma_wait3A_195 = tpu.memref_squeeze %dma_wait3A_194 : memref<1x64x128xf32, #tpu.memory_space<vmem>> -> memref<64x128xf32, #tpu.memory_space<vmem>>
      %dma_wait3A_196 = arith.constant 0 : i32
      %dma_wait3A_197 = arith.constant 0 : i32
      %dma_wait3A_198 = tpu.memref_slice %arg3[%dma_wait3A_196, %dma_wait3A_197] : memref<64x1000001xf32, #tpu.memory_space<hbm>> -> memref<64x128xf32, #tpu.memory_space<hbm>>
      tpu.wait_dma2 semaphore(%arg8 : memref<!tpu.dma_semaphore, #tpu.memory_space<semaphore_mem>>) src(%dma_wait3A_198 : memref<64x128xf32, #tpu.memory_space<hbm>>) dst(%dma_wait3A_195 : memref<64x128xf32, #tpu.memory_space<vmem>>)
      %slice3A_199 = vector.extract_strided_slice %get3A_184 {offsets = [0], sizes = [1], strides = [1]} : vector<16xi32> to vector<1xi32>
      %squeeze3A_200 = vector.extract %slice3A_199[0] : i32 from vector<1xi32>
      %and3A = arith.constant 127 : i32
      %and3A_201 = arith.andi %squeeze3A_200, %and3A : i32
      %broadcast_in_dim3A = vector.broadcast %and3A_201 : i32 to vector<16xi32>
      %mul3A_202 = arith.constant 8 : i32
      %mul3A_203 = arith.muli %scan3A_179, %mul3A_202 : i32
      %add3A_204 = arith.constant 0 : i32
      %add3A_205 = arith.addi %mul3A_203, %add3A_204 : i32
      %broadcast_in_dim3A_206 = vector.broadcast %add3A_205 : i32 to vector<16xi32>
      %gather3A = arith.constant 0 : i32
      %gather3A_207 = arith.constant 0 : i32
      %gather3A_208 = arith.constant 0 : i32
      %gather3A_209 = tpu.memref_slice %arg6[%gather3A, %gather3A_207, %gather3A_208] : memref<8x64x128xf32, #tpu.memory_space<vmem>> -> memref<1x64x128xf32, #tpu.memory_space<vmem>>
      %gather3A_210 = tpu.memref_squeeze %gather3A_209 : memref<1x64x128xf32, #tpu.memory_space<vmem>> -> memref<64x128xf32, #tpu.memory_space<vmem>>
      %gather3A_211 = tpu.vector_load_idx %gather3A_210[%add3A_5, %broadcast_in_dim3A] : memref<64x128xf32, #tpu.memory_space<vmem>>[vector<16xi32>, vector<16xi32>], vector<16xf32>,
      tpu.vector_store_idx %arg7[%add3A_5, %broadcast_in_dim3A_206], %gather3A_211 : memref<64x512xf32, #tpu.memory_space<vmem>>[vector<16xi32>, vector<16xi32>], vector<16xf32>,
      %gather3A_212 = arith.constant 0 : i32
      %gather3A_213 = arith.constant 0 : i32
      %gather3A_214 = arith.constant 0 : i32
      %gather3A_215 = tpu.memref_slice %arg6[%gather3A_212, %gather3A_213, %gather3A_214] : memref<8x64x128xf32, #tpu.memory_space<vmem>> -> memref<1x64x128xf32, #tpu.memory_space<vmem>>
      %gather3A_216 = tpu.memref_squeeze %gather3A_215 : memref<1x64x128xf32, #tpu.memory_space<vmem>> -> memref<64x128xf32, #tpu.memory_space<vmem>>
      %gather3A_217 = tpu.vector_load_idx %gather3A_216[%add3A_9, %broadcast_in_dim3A] : memref<64x128xf32, #tpu.memory_space<vmem>>[vector<16xi32>, vector<16xi32>], vector<16xf32>,
      tpu.vector_store_idx %arg7[%add3A_9, %broadcast_in_dim3A_206], %gather3A_217 : memref<64x512xf32, #tpu.memory_space<vmem>>[vector<16xi32>, vector<16xi32>], vector<16xf32>,
      %gather3A_218 = arith.constant 0 : i32
      %gather3A_219 = arith.constant 0 : i32
      %gather3A_220 = arith.constant 0 : i32
      %gather3A_221 = tpu.memref_slice %arg6[%gather3A_218, %gather3A_219, %gather3A_220] : memref<8x64x128xf32, #tpu.memory_space<vmem>> -> memref<1x64x128xf32, #tpu.memory_space<vmem>>
      %gather3A_222 = tpu.memref_squeeze %gather3A_221 : memref<1x64x128xf32, #tpu.memory_space<vmem>> -> memref<64x128xf32, #tpu.memory_space<vmem>>
      %gather3A_223 = tpu.vector_load_idx %gather3A_222[%add3A_13, %broadcast_in_dim3A] : memref<64x128xf32, #tpu.memory_space<vmem>>[vector<16xi32>, vector<16xi32>], vector<16xf32>,
      tpu.vector_store_idx %arg7[%add3A_13, %broadcast_in_dim3A_206], %gather3A_223 : memref<64x512xf32, #tpu.memory_space<vmem>>[vector<16xi32>, vector<16xi32>], vector<16xf32>,
      %gather3A_224 = arith.constant 0 : i32
      %gather3A_225 = arith.constant 0 : i32
      %gather3A_226 = arith.constant 0 : i32
      %gather3A_227 = tpu.memref_slice %arg6[%gather3A_224, %gather3A_225, %gather3A_226] : memref<8x64x128xf32, #tpu.memory_space<vmem>> -> memref<1x64x128xf32, #tpu.memory_space<vmem>>
      %gather3A_228 = tpu.memref_squeeze %gather3A_227 : memref<1x64x128xf32, #tpu.memory_space<vmem>> -> memref<64x128xf32, #tpu.memory_space<vmem>>
      %gather3A_229 = tpu.vector_load_idx %gather3A_228[%add3A_17, %broadcast_in_dim3A] : memref<64x128xf32, #tpu.memory_space<vmem>>[vector<16xi32>, vector<16xi32>], vector<16xf32>,
      tpu.vector_store_idx %arg7[%add3A_17, %broadcast_in_dim3A_206], %gather3A_229 : memref<64x512xf32, #tpu.memory_space<vmem>>[vector<16xi32>, vector<16xi32>], vector<16xf32>,
      %lt3A = arith.constant 63 : i32
      %lt3A_230 = arith.cmpi slt, %scan3A_179, %lt3A : i32
      %convert_element_type3A = arith.extui %lt3A_230 : i1 to i32
      %cond3A = arith.constant 0 : i32
      %cond3A_231 = arith.cmpi ne, %convert_element_type3A, %cond3A : i32
      scf.if %cond3A_231 {
        %slice3A_611 = vector.extract_strided_slice %get3A_184 {offsets = [8], sizes = [1], strides = [1]} : vector<16xi32> to vector<1xi32>
        %squeeze3A_612 = vector.extract %slice3A_611[0] : i32 from vector<1xi32>
        %shift_right_arithmetic3A_613 = arith.constant 7 : i32
        %shift_right_arithmetic3A_614 = arith.shrsi %squeeze3A_612, %shift_right_arithmetic3A_613 : i32
        %shift_left3A_615 = arith.constant 7 : i32
        %shift_left3A_616 = arith.shli %shift_right_arithmetic3A_614, %shift_left3A_615 : i32
        %multiple_of3A_617 = tpu.assume_multiple %shift_left3A_616, 128 : i32
        %dma_start3A_618 = arith.constant 0 : i32
        %dma_start3A_619 = arith.constant 0 : i32
        %dma_start3A_620 = arith.constant 0 : i32
        %dma_start3A_621 = tpu.memref_slice %arg6[%dma_start3A_618, %dma_start3A_619, %dma_start3A_620] : memref<8x64x128xf32, #tpu.memory_space<vmem>> -> memref<1x64x128xf32, #tpu.memory_space<vmem>>
        %dma_start3A_622 = tpu.memref_squeeze %dma_start3A_621 : memref<1x64x128xf32, #tpu.memory_space<vmem>> -> memref<64x128xf32, #tpu.memory_space<vmem>>
        %dma_start3A_623 = arith.constant 0 : i32
        %dma_start3A_624 = tpu.memref_slice %arg3[%dma_start3A_623, %multiple_of3A_617] : memref<64x1000001xf32, #tpu.memory_space<hbm>> -> memref<64x128xf32, #tpu.memory_space<hbm>>
        %dma_start3A_625 = arith.constant 0 : i32
        %dma_start3A_626 = arith.constant 0 : i32
        %dma_start3A_627 = tpu.memref_slice %arg6[%dma_start3A_618, %dma_start3A_625, %dma_start3A_626] : memref<8x64x128xf32, #tpu.memory_space<vmem>> -> memref<1x64x128xf32, #tpu.memory_space<vmem>>
        %dma_start3A_628 = tpu.memref_squeeze %dma_start3A_627 : memref<1x64x128xf32, #tpu.memory_space<vmem>> -> memref<64x128xf32, #tpu.memory_space<vmem>>
        %dma_start3A_629 = arith.constant 0 : i32
        %dma_start3A_630 = tpu.memref_slice %arg3[%dma_start3A_629, %multiple_of3A_617] : memref<64x1000001xf32, #tpu.memory_space<hbm>> -> memref<64x128xf32, #tpu.memory_space<hbm>>
        tpu.enqueue_dma source(%dma_start3A_630 : memref<64x128xf32, #tpu.memory_space<hbm>>) target(%dma_start3A_628 : memref<64x128xf32, #tpu.memory_space<vmem>>) target_semaphore(%arg8 : memref<!tpu.dma_semaphore, #tpu.memory_space<semaphore_mem>>)
      } else {
      }
      %dma_wait3A_232 = arith.constant 1 : i32
      %dma_wait3A_233 = arith.constant 0 : i32
      %dma_wait3A_234 = arith.constant 0 : i32
      %dma_wait3A_235 = tpu.memref_slice %arg6[%dma_wait3A_232, %dma_wait3A_233, %dma_wait3A_234] : memref<8x64x128xf32, #tpu.memory_space<vmem>> -> memref<1x64x128xf32, #tpu.memory_space<vmem>>
      %dma_wait3A_236 = tpu.memref_squeeze %dma_wait3A_235 : memref<1x64x128xf32, #tpu.memory_space<vmem>> -> memref<64x128xf32, #tpu.memory_space<vmem>>
      %dma_wait3A_237 = arith.constant 0 : i32
      %dma_wait3A_238 = arith.constant 0 : i32
      %dma_wait3A_239 = tpu.memref_slice %arg3[%dma_wait3A_237, %dma_wait3A_238] : memref<64x1000001xf32, #tpu.memory_space<hbm>> -> memref<64x128xf32, #tpu.memory_space<hbm>>
      %dma_wait3A_240 = arith.constant 0 : i32
      %dma_wait3A_241 = arith.constant 0 : i32
      %dma_wait3A_242 = tpu.memref_slice %arg6[%dma_wait3A_232, %dma_wait3A_240, %dma_wait3A_241] : memref<8x64x128xf32, #tpu.memory_space<vmem>> -> memref<1x64x128xf32, #tpu.memory_space<vmem>>
      %dma_wait3A_243 = tpu.memref_squeeze %dma_wait3A_242 : memref<1x64x128xf32, #tpu.memory_space<vmem>> -> memref<64x128xf32, #tpu.memory_space<vmem>>
      %dma_wait3A_244 = arith.constant 0 : i32
      %dma_wait3A_245 = arith.constant 0 : i32
      %dma_wait3A_246 = tpu.memref_slice %arg3[%dma_wait3A_244, %dma_wait3A_245] : memref<64x1000001xf32, #tpu.memory_space<hbm>> -> memref<64x128xf32, #tpu.memory_space<hbm>>
      tpu.wait_dma2 semaphore(%arg9 : memref<!tpu.dma_semaphore, #tpu.memory_space<semaphore_mem>>) src(%dma_wait3A_246 : memref<64x128xf32, #tpu.memory_space<hbm>>) dst(%dma_wait3A_243 : memref<64x128xf32, #tpu.memory_space<vmem>>)
      %slice3A_247 = vector.extract_strided_slice %get3A_184 {offsets = [1], sizes = [1], strides = [1]} : vector<16xi32> to vector<1xi32>
      %squeeze3A_248 = vector.extract %slice3A_247[0] : i32 from vector<1xi32>
      %and3A_249 = arith.constant 127 : i32
      %and3A_250 = arith.andi %squeeze3A_248, %and3A_249 : i32
      %broadcast_in_dim3A_251 = vector.broadcast %and3A_250 : i32 to vector<16xi32>
      %mul3A_252 = arith.constant 8 : i32
      %mul3A_253 = arith.muli %scan3A_179, %mul3A_252 : i32
      %add3A_254 = arith.constant 1 : i32
      %add3A_255 = arith.addi %mul3A_253, %add3A_254 : i32
      %broadcast_in_dim3A_256 = vector.broadcast %add3A_255 : i32 to vector<16xi32>
      %gather3A_257 = arith.constant 1 : i32
      %gather3A_258 = arith.constant 0 : i32
      %gather3A_259 = arith.constant 0 : i32
      %gather3A_260 = tpu.memref_slice %arg6[%gather3A_257, %gather3A_258, %gather3A_259] : memref<8x64x128xf32, #tpu.memory_space<vmem>> -> memref<1x64x128xf32, #tpu.memory_space<vmem>>
      %gather3A_261 = tpu.memref_squeeze %gather3A_260 : memref<1x64x128xf32, #tpu.memory_space<vmem>> -> memref<64x128xf32, #tpu.memory_space<vmem>>
      %gather3A_262 = tpu.vector_load_idx %gather3A_261[%add3A_5, %broadcast_in_dim3A_251] : memref<64x128xf32, #tpu.memory_space<vmem>>[vector<16xi32>, vector<16xi32>], vector<16xf32>,
      tpu.vector_store_idx %arg7[%add3A_5, %broadcast_in_dim3A_256], %gather3A_262 : memref<64x512xf32, #tpu.memory_space<vmem>>[vector<16xi32>, vector<16xi32>], vector<16xf32>,
      %gather3A_263 = arith.constant 1 : i32
      %gather3A_264 = arith.constant 0 : i32
      %gather3A_265 = arith.constant 0 : i32
      %gather3A_266 = tpu.memref_slice %arg6[%gather3A_263, %gather3A_264, %gather3A_265] : memref<8x64x128xf32, #tpu.memory_space<vmem>> -> memref<1x64x128xf32, #tpu.memory_space<vmem>>
      %gather3A_267 = tpu.memref_squeeze %gather3A_266 : memref<1x64x128xf32, #tpu.memory_space<vmem>> -> memref<64x128xf32, #tpu.memory_space<vmem>>
      %gather3A_268 = tpu.vector_load_idx %gather3A_267[%add3A_9, %broadcast_in_dim3A_251] : memref<64x128xf32, #tpu.memory_space<vmem>>[vector<16xi32>, vector<16xi32>], vector<16xf32>,
      tpu.vector_store_idx %arg7[%add3A_9, %broadcast_in_dim3A_256], %gather3A_268 : memref<64x512xf32, #tpu.memory_space<vmem>>[vector<16xi32>, vector<16xi32>], vector<16xf32>,
      %gather3A_269 = arith.constant 1 : i32
      %gather3A_270 = arith.constant 0 : i32
      %gather3A_271 = arith.constant 0 : i32
      %gather3A_272 = tpu.memref_slice %arg6[%gather3A_269, %gather3A_270, %gather3A_271] : memref<8x64x128xf32, #tpu.memory_space<vmem>> -> memref<1x64x128xf32, #tpu.memory_space<vmem>>
      %gather3A_273 = tpu.memref_squeeze %gather3A_272 : memref<1x64x128xf32, #tpu.memory_space<vmem>> -> memref<64x128xf32, #tpu.memory_space<vmem>>
      %gather3A_274 = tpu.vector_load_idx %gather3A_273[%add3A_13, %broadcast_in_dim3A_251] : memref<64x128xf32, #tpu.memory_space<vmem>>[vector<16xi32>, vector<16xi32>], vector<16xf32>,
      tpu.vector_store_idx %arg7[%add3A_13, %broadcast_in_dim3A_256], %gather3A_274 : memref<64x512xf32, #tpu.memory_space<vmem>>[vector<16xi32>, vector<16xi32>], vector<16xf32>,
      %gather3A_275 = arith.constant 1 : i32
      %gather3A_276 = arith.constant 0 : i32
      %gather3A_277 = arith.constant 0 : i32
      %gather3A_278 = tpu.memref_slice %arg6[%gather3A_275, %gather3A_276, %gather3A_277] : memref<8x64x128xf32, #tpu.memory_space<vmem>> -> memref<1x64x128xf32, #tpu.memory_space<vmem>>
      %gather3A_279 = tpu.memref_squeeze %gather3A_278 : memref<1x64x128xf32, #tpu.memory_space<vmem>> -> memref<64x128xf32, #tpu.memory_space<vmem>>
      %gather3A_280 = tpu.vector_load_idx %gather3A_279[%add3A_17, %broadcast_in_dim3A_251] : memref<64x128xf32, #tpu.memory_space<vmem>>[vector<16xi32>, vector<16xi32>], vector<16xf32>,
      tpu.vector_store_idx %arg7[%add3A_17, %broadcast_in_dim3A_256], %gather3A_280 : memref<64x512xf32, #tpu.memory_space<vmem>>[vector<16xi32>, vector<16xi32>], vector<16xf32>,
      %lt3A_281 = arith.constant 63 : i32
      %lt3A_282 = arith.cmpi slt, %scan3A_179, %lt3A_281 : i32
      %convert_element_type3A_283 = arith.extui %lt3A_282 : i1 to i32
      %cond3A_284 = arith.constant 0 : i32
      %cond3A_285 = arith.cmpi ne, %convert_element_type3A_283, %cond3A_284 : i32
      scf.if %cond3A_285 {
        %slice3A_611 = vector.extract_strided_slice %get3A_184 {offsets = [9], sizes = [1], strides = [1]} : vector<16xi32> to vector<1xi32>
        %squeeze3A_612 = vector.extract %slice3A_611[0] : i32 from vector<1xi32>
        %shift_right_arithmetic3A_613 = arith.constant 7 : i32
        %shift_right_arithmetic3A_614 = arith.shrsi %squeeze3A_612, %shift_right_arithmetic3A_613 : i32
        %shift_left3A_615 = arith.constant 7 : i32
        %shift_left3A_616 = arith.shli %shift_right_arithmetic3A_614, %shift_left3A_615 : i32
        %multiple_of3A_617 = tpu.assume_multiple %shift_left3A_616, 128 : i32
        %dma_start3A_618 = arith.constant 1 : i32
        %dma_start3A_619 = arith.constant 0 : i32
        %dma_start3A_620 = arith.constant 0 : i32
        %dma_start3A_621 = tpu.memref_slice %arg6[%dma_start3A_618, %dma_start3A_619, %dma_start3A_620] : memref<8x64x128xf32, #tpu.memory_space<vmem>> -> memref<1x64x128xf32, #tpu.memory_space<vmem>>
        %dma_start3A_622 = tpu.memref_squeeze %dma_start3A_621 : memref<1x64x128xf32, #tpu.memory_space<vmem>> -> memref<64x128xf32, #tpu.memory_space<vmem>>
        %dma_start3A_623 = arith.constant 0 : i32
        %dma_start3A_624 = tpu.memref_slice %arg3[%dma_start3A_623, %multiple_of3A_617] : memref<64x1000001xf32, #tpu.memory_space<hbm>> -> memref<64x128xf32, #tpu.memory_space<hbm>>
        %dma_start3A_625 = arith.constant 0 : i32
        %dma_start3A_626 = arith.constant 0 : i32
        %dma_start3A_627 = tpu.memref_slice %arg6[%dma_start3A_618, %dma_start3A_625, %dma_start3A_626] : memref<8x64x128xf32, #tpu.memory_space<vmem>> -> memref<1x64x128xf32, #tpu.memory_space<vmem>>
        %dma_start3A_628 = tpu.memref_squeeze %dma_start3A_627 : memref<1x64x128xf32, #tpu.memory_space<vmem>> -> memref<64x128xf32, #tpu.memory_space<vmem>>
        %dma_start3A_629 = arith.constant 0 : i32
        %dma_start3A_630 = tpu.memref_slice %arg3[%dma_start3A_629, %multiple_of3A_617] : memref<64x1000001xf32, #tpu.memory_space<hbm>> -> memref<64x128xf32, #tpu.memory_space<hbm>>
        tpu.enqueue_dma source(%dma_start3A_630 : memref<64x128xf32, #tpu.memory_space<hbm>>) target(%dma_start3A_628 : memref<64x128xf32, #tpu.memory_space<vmem>>) target_semaphore(%arg9 : memref<!tpu.dma_semaphore, #tpu.memory_space<semaphore_mem>>)
      } else {
      }
      %dma_wait3A_286 = arith.constant 2 : i32
      %dma_wait3A_287 = arith.constant 0 : i32
      %dma_wait3A_288 = arith.constant 0 : i32
      %dma_wait3A_289 = tpu.memref_slice %arg6[%dma_wait3A_286, %dma_wait3A_287, %dma_wait3A_288] : memref<8x64x128xf32, #tpu.memory_space<vmem>> -> memref<1x64x128xf32, #tpu.memory_space<vmem>>
      %dma_wait3A_290 = tpu.memref_squeeze %dma_wait3A_289 : memref<1x64x128xf32, #tpu.memory_space<vmem>> -> memref<64x128xf32, #tpu.memory_space<vmem>>
      %dma_wait3A_291 = arith.constant 0 : i32
      %dma_wait3A_292 = arith.constant 0 : i32
      %dma_wait3A_293 = tpu.memref_slice %arg3[%dma_wait3A_291, %dma_wait3A_292] : memref<64x1000001xf32, #tpu.memory_space<hbm>> -> memref<64x128xf32, #tpu.memory_space<hbm>>
      %dma_wait3A_294 = arith.constant 0 : i32
      %dma_wait3A_295 = arith.constant 0 : i32
      %dma_wait3A_296 = tpu.memref_slice %arg6[%dma_wait3A_286, %dma_wait3A_294, %dma_wait3A_295] : memref<8x64x128xf32, #tpu.memory_space<vmem>> -> memref<1x64x128xf32, #tpu.memory_space<vmem>>
      %dma_wait3A_297 = tpu.memref_squeeze %dma_wait3A_296 : memref<1x64x128xf32, #tpu.memory_space<vmem>> -> memref<64x128xf32, #tpu.memory_space<vmem>>
      %dma_wait3A_298 = arith.constant 0 : i32
      %dma_wait3A_299 = arith.constant 0 : i32
      %dma_wait3A_300 = tpu.memref_slice %arg3[%dma_wait3A_298, %dma_wait3A_299] : memref<64x1000001xf32, #tpu.memory_space<hbm>> -> memref<64x128xf32, #tpu.memory_space<hbm>>
      tpu.wait_dma2 semaphore(%arg10 : memref<!tpu.dma_semaphore, #tpu.memory_space<semaphore_mem>>) src(%dma_wait3A_300 : memref<64x128xf32, #tpu.memory_space<hbm>>) dst(%dma_wait3A_297 : memref<64x128xf32, #tpu.memory_space<vmem>>)
      %slice3A_301 = vector.extract_strided_slice %get3A_184 {offsets = [2], sizes = [1], strides = [1]} : vector<16xi32> to vector<1xi32>
      %squeeze3A_302 = vector.extract %slice3A_301[0] : i32 from vector<1xi32>
      %and3A_303 = arith.constant 127 : i32
      %and3A_304 = arith.andi %squeeze3A_302, %and3A_303 : i32
      %broadcast_in_dim3A_305 = vector.broadcast %and3A_304 : i32 to vector<16xi32>
      %mul3A_306 = arith.constant 8 : i32
      %mul3A_307 = arith.muli %scan3A_179, %mul3A_306 : i32
      %add3A_308 = arith.constant 2 : i32
      %add3A_309 = arith.addi %mul3A_307, %add3A_308 : i32
      %broadcast_in_dim3A_310 = vector.broadcast %add3A_309 : i32 to vector<16xi32>
      %gather3A_311 = arith.constant 2 : i32
      %gather3A_312 = arith.constant 0 : i32
      %gather3A_313 = arith.constant 0 : i32
      %gather3A_314 = tpu.memref_slice %arg6[%gather3A_311, %gather3A_312, %gather3A_313] : memref<8x64x128xf32, #tpu.memory_space<vmem>> -> memref<1x64x128xf32, #tpu.memory_space<vmem>>
      %gather3A_315 = tpu.memref_squeeze %gather3A_314 : memref<1x64x128xf32, #tpu.memory_space<vmem>> -> memref<64x128xf32, #tpu.memory_space<vmem>>
      %gather3A_316 = tpu.vector_load_idx %gather3A_315[%add3A_5, %broadcast_in_dim3A_305] : memref<64x128xf32, #tpu.memory_space<vmem>>[vector<16xi32>, vector<16xi32>], vector<16xf32>,
      tpu.vector_store_idx %arg7[%add3A_5, %broadcast_in_dim3A_310], %gather3A_316 : memref<64x512xf32, #tpu.memory_space<vmem>>[vector<16xi32>, vector<16xi32>], vector<16xf32>,
      %gather3A_317 = arith.constant 2 : i32
      %gather3A_318 = arith.constant 0 : i32
      %gather3A_319 = arith.constant 0 : i32
      %gather3A_320 = tpu.memref_slice %arg6[%gather3A_317, %gather3A_318, %gather3A_319] : memref<8x64x128xf32, #tpu.memory_space<vmem>> -> memref<1x64x128xf32, #tpu.memory_space<vmem>>
      %gather3A_321 = tpu.memref_squeeze %gather3A_320 : memref<1x64x128xf32, #tpu.memory_space<vmem>> -> memref<64x128xf32, #tpu.memory_space<vmem>>
      %gather3A_322 = tpu.vector_load_idx %gather3A_321[%add3A_9, %broadcast_in_dim3A_305] : memref<64x128xf32, #tpu.memory_space<vmem>>[vector<16xi32>, vector<16xi32>], vector<16xf32>,
      tpu.vector_store_idx %arg7[%add3A_9, %broadcast_in_dim3A_310], %gather3A_322 : memref<64x512xf32, #tpu.memory_space<vmem>>[vector<16xi32>, vector<16xi32>], vector<16xf32>,
      %gather3A_323 = arith.constant 2 : i32
      %gather3A_324 = arith.constant 0 : i32
      %gather3A_325 = arith.constant 0 : i32
      %gather3A_326 = tpu.memref_slice %arg6[%gather3A_323, %gather3A_324, %gather3A_325] : memref<8x64x128xf32, #tpu.memory_space<vmem>> -> memref<1x64x128xf32, #tpu.memory_space<vmem>>
      %gather3A_327 = tpu.memref_squeeze %gather3A_326 : memref<1x64x128xf32, #tpu.memory_space<vmem>> -> memref<64x128xf32, #tpu.memory_space<vmem>>
      %gather3A_328 = tpu.vector_load_idx %gather3A_327[%add3A_13, %broadcast_in_dim3A_305] : memref<64x128xf32, #tpu.memory_space<vmem>>[vector<16xi32>, vector<16xi32>], vector<16xf32>,
      tpu.vector_store_idx %arg7[%add3A_13, %broadcast_in_dim3A_310], %gather3A_328 : memref<64x512xf32, #tpu.memory_space<vmem>>[vector<16xi32>, vector<16xi32>], vector<16xf32>,
      %gather3A_329 = arith.constant 2 : i32
      %gather3A_330 = arith.constant 0 : i32
      %gather3A_331 = arith.constant 0 : i32
      %gather3A_332 = tpu.memref_slice %arg6[%gather3A_329, %gather3A_330, %gather3A_331] : memref<8x64x128xf32, #tpu.memory_space<vmem>> -> memref<1x64x128xf32, #tpu.memory_space<vmem>>
      %gather3A_333 = tpu.memref_squeeze %gather3A_332 : memref<1x64x128xf32, #tpu.memory_space<vmem>> -> memref<64x128xf32, #tpu.memory_space<vmem>>
      %gather3A_334 = tpu.vector_load_idx %gather3A_333[%add3A_17, %broadcast_in_dim3A_305] : memref<64x128xf32, #tpu.memory_space<vmem>>[vector<16xi32>, vector<16xi32>], vector<16xf32>,
      tpu.vector_store_idx %arg7[%add3A_17, %broadcast_in_dim3A_310], %gather3A_334 : memref<64x512xf32, #tpu.memory_space<vmem>>[vector<16xi32>, vector<16xi32>], vector<16xf32>,
      %lt3A_335 = arith.constant 63 : i32
      %lt3A_336 = arith.cmpi slt, %scan3A_179, %lt3A_335 : i32
      %convert_element_type3A_337 = arith.extui %lt3A_336 : i1 to i32
      %cond3A_338 = arith.constant 0 : i32
      %cond3A_339 = arith.cmpi ne, %convert_element_type3A_337, %cond3A_338 : i32
      scf.if %cond3A_339 {
        %slice3A_611 = vector.extract_strided_slice %get3A_184 {offsets = [10], sizes = [1], strides = [1]} : vector<16xi32> to vector<1xi32>
        %squeeze3A_612 = vector.extract %slice3A_611[0] : i32 from vector<1xi32>
        %shift_right_arithmetic3A_613 = arith.constant 7 : i32
        %shift_right_arithmetic3A_614 = arith.shrsi %squeeze3A_612, %shift_right_arithmetic3A_613 : i32
        %shift_left3A_615 = arith.constant 7 : i32
        %shift_left3A_616 = arith.shli %shift_right_arithmetic3A_614, %shift_left3A_615 : i32
        %multiple_of3A_617 = tpu.assume_multiple %shift_left3A_616, 128 : i32
        %dma_start3A_618 = arith.constant 2 : i32
        %dma_start3A_619 = arith.constant 0 : i32
        %dma_start3A_620 = arith.constant 0 : i32
        %dma_start3A_621 = tpu.memref_slice %arg6[%dma_start3A_618, %dma_start3A_619, %dma_start3A_620] : memref<8x64x128xf32, #tpu.memory_space<vmem>> -> memref<1x64x128xf32, #tpu.memory_space<vmem>>
        %dma_start3A_622 = tpu.memref_squeeze %dma_start3A_621 : memref<1x64x128xf32, #tpu.memory_space<vmem>> -> memref<64x128xf32, #tpu.memory_space<vmem>>
        %dma_start3A_623 = arith.constant 0 : i32
        %dma_start3A_624 = tpu.memref_slice %arg3[%dma_start3A_623, %multiple_of3A_617] : memref<64x1000001xf32, #tpu.memory_space<hbm>> -> memref<64x128xf32, #tpu.memory_space<hbm>>
        %dma_start3A_625 = arith.constant 0 : i32
        %dma_start3A_626 = arith.constant 0 : i32
        %dma_start3A_627 = tpu.memref_slice %arg6[%dma_start3A_618, %dma_start3A_625, %dma_start3A_626] : memref<8x64x128xf32, #tpu.memory_space<vmem>> -> memref<1x64x128xf32, #tpu.memory_space<vmem>>
        %dma_start3A_628 = tpu.memref_squeeze %dma_start3A_627 : memref<1x64x128xf32, #tpu.memory_space<vmem>> -> memref<64x128xf32, #tpu.memory_space<vmem>>
        %dma_start3A_629 = arith.constant 0 : i32
        %dma_start3A_630 = tpu.memref_slice %arg3[%dma_start3A_629, %multiple_of3A_617] : memref<64x1000001xf32, #tpu.memory_space<hbm>> -> memref<64x128xf32, #tpu.memory_space<hbm>>
        tpu.enqueue_dma source(%dma_start3A_630 : memref<64x128xf32, #tpu.memory_space<hbm>>) target(%dma_start3A_628 : memref<64x128xf32, #tpu.memory_space<vmem>>) target_semaphore(%arg10 : memref<!tpu.dma_semaphore, #tpu.memory_space<semaphore_mem>>)
      } else {
      }
      %dma_wait3A_340 = arith.constant 3 : i32
      %dma_wait3A_341 = arith.constant 0 : i32
      %dma_wait3A_342 = arith.constant 0 : i32
      %dma_wait3A_343 = tpu.memref_slice %arg6[%dma_wait3A_340, %dma_wait3A_341, %dma_wait3A_342] : memref<8x64x128xf32, #tpu.memory_space<vmem>> -> memref<1x64x128xf32, #tpu.memory_space<vmem>>
      %dma_wait3A_344 = tpu.memref_squeeze %dma_wait3A_343 : memref<1x64x128xf32, #tpu.memory_space<vmem>> -> memref<64x128xf32, #tpu.memory_space<vmem>>
      %dma_wait3A_345 = arith.constant 0 : i32
      %dma_wait3A_346 = arith.constant 0 : i32
      %dma_wait3A_347 = tpu.memref_slice %arg3[%dma_wait3A_345, %dma_wait3A_346] : memref<64x1000001xf32, #tpu.memory_space<hbm>> -> memref<64x128xf32, #tpu.memory_space<hbm>>
      %dma_wait3A_348 = arith.constant 0 : i32
      %dma_wait3A_349 = arith.constant 0 : i32
      %dma_wait3A_350 = tpu.memref_slice %arg6[%dma_wait3A_340, %dma_wait3A_348, %dma_wait3A_349] : memref<8x64x128xf32, #tpu.memory_space<vmem>> -> memref<1x64x128xf32, #tpu.memory_space<vmem>>
      %dma_wait3A_351 = tpu.memref_squeeze %dma_wait3A_350 : memref<1x64x128xf32, #tpu.memory_space<vmem>> -> memref<64x128xf32, #tpu.memory_space<vmem>>
      %dma_wait3A_352 = arith.constant 0 : i32
      %dma_wait3A_353 = arith.constant 0 : i32
      %dma_wait3A_354 = tpu.memref_slice %arg3[%dma_wait3A_352, %dma_wait3A_353] : memref<64x1000001xf32, #tpu.memory_space<hbm>> -> memref<64x128xf32, #tpu.memory_space<hbm>>
      tpu.wait_dma2 semaphore(%arg11 : memref<!tpu.dma_semaphore, #tpu.memory_space<semaphore_mem>>) src(%dma_wait3A_354 : memref<64x128xf32, #tpu.memory_space<hbm>>) dst(%dma_wait3A_351 : memref<64x128xf32, #tpu.memory_space<vmem>>)
      %slice3A_355 = vector.extract_strided_slice %get3A_184 {offsets = [3], sizes = [1], strides = [1]} : vector<16xi32> to vector<1xi32>
      %squeeze3A_356 = vector.extract %slice3A_355[0] : i32 from vector<1xi32>
      %and3A_357 = arith.constant 127 : i32
      %and3A_358 = arith.andi %squeeze3A_356, %and3A_357 : i32
      %broadcast_in_dim3A_359 = vector.broadcast %and3A_358 : i32 to vector<16xi32>
      %mul3A_360 = arith.constant 8 : i32
      %mul3A_361 = arith.muli %scan3A_179, %mul3A_360 : i32
      %add3A_362 = arith.constant 3 : i32
      %add3A_363 = arith.addi %mul3A_361, %add3A_362 : i32
      %broadcast_in_dim3A_364 = vector.broadcast %add3A_363 : i32 to vector<16xi32>
      %gather3A_365 = arith.constant 3 : i32
      %gather3A_366 = arith.constant 0 : i32
      %gather3A_367 = arith.constant 0 : i32
      %gather3A_368 = tpu.memref_slice %arg6[%gather3A_365, %gather3A_366, %gather3A_367] : memref<8x64x128xf32, #tpu.memory_space<vmem>> -> memref<1x64x128xf32, #tpu.memory_space<vmem>>
      %gather3A_369 = tpu.memref_squeeze %gather3A_368 : memref<1x64x128xf32, #tpu.memory_space<vmem>> -> memref<64x128xf32, #tpu.memory_space<vmem>>
      %gather3A_370 = tpu.vector_load_idx %gather3A_369[%add3A_5, %broadcast_in_dim3A_359] : memref<64x128xf32, #tpu.memory_space<vmem>>[vector<16xi32>, vector<16xi32>], vector<16xf32>,
      tpu.vector_store_idx %arg7[%add3A_5, %broadcast_in_dim3A_364], %gather3A_370 : memref<64x512xf32, #tpu.memory_space<vmem>>[vector<16xi32>, vector<16xi32>], vector<16xf32>,
      %gather3A_371 = arith.constant 3 : i32
      %gather3A_372 = arith.constant 0 : i32
      %gather3A_373 = arith.constant 0 : i32
      %gather3A_374 = tpu.memref_slice %arg6[%gather3A_371, %gather3A_372, %gather3A_373] : memref<8x64x128xf32, #tpu.memory_space<vmem>> -> memref<1x64x128xf32, #tpu.memory_space<vmem>>
      %gather3A_375 = tpu.memref_squeeze %gather3A_374 : memref<1x64x128xf32, #tpu.memory_space<vmem>> -> memref<64x128xf32, #tpu.memory_space<vmem>>
      %gather3A_376 = tpu.vector_load_idx %gather3A_375[%add3A_9, %broadcast_in_dim3A_359] : memref<64x128xf32, #tpu.memory_space<vmem>>[vector<16xi32>, vector<16xi32>], vector<16xf32>,
      tpu.vector_store_idx %arg7[%add3A_9, %broadcast_in_dim3A_364], %gather3A_376 : memref<64x512xf32, #tpu.memory_space<vmem>>[vector<16xi32>, vector<16xi32>], vector<16xf32>,
      %gather3A_377 = arith.constant 3 : i32
      %gather3A_378 = arith.constant 0 : i32
      %gather3A_379 = arith.constant 0 : i32
      %gather3A_380 = tpu.memref_slice %arg6[%gather3A_377, %gather3A_378, %gather3A_379] : memref<8x64x128xf32, #tpu.memory_space<vmem>> -> memref<1x64x128xf32, #tpu.memory_space<vmem>>
      %gather3A_381 = tpu.memref_squeeze %gather3A_380 : memref<1x64x128xf32, #tpu.memory_space<vmem>> -> memref<64x128xf32, #tpu.memory_space<vmem>>
      %gather3A_382 = tpu.vector_load_idx %gather3A_381[%add3A_13, %broadcast_in_dim3A_359] : memref<64x128xf32, #tpu.memory_space<vmem>>[vector<16xi32>, vector<16xi32>], vector<16xf32>,
      tpu.vector_store_idx %arg7[%add3A_13, %broadcast_in_dim3A_364], %gather3A_382 : memref<64x512xf32, #tpu.memory_space<vmem>>[vector<16xi32>, vector<16xi32>], vector<16xf32>,
      %gather3A_383 = arith.constant 3 : i32
      %gather3A_384 = arith.constant 0 : i32
      %gather3A_385 = arith.constant 0 : i32
      %gather3A_386 = tpu.memref_slice %arg6[%gather3A_383, %gather3A_384, %gather3A_385] : memref<8x64x128xf32, #tpu.memory_space<vmem>> -> memref<1x64x128xf32, #tpu.memory_space<vmem>>
      %gather3A_387 = tpu.memref_squeeze %gather3A_386 : memref<1x64x128xf32, #tpu.memory_space<vmem>> -> memref<64x128xf32, #tpu.memory_space<vmem>>
      %gather3A_388 = tpu.vector_load_idx %gather3A_387[%add3A_17, %broadcast_in_dim3A_359] : memref<64x128xf32, #tpu.memory_space<vmem>>[vector<16xi32>, vector<16xi32>], vector<16xf32>,
      tpu.vector_store_idx %arg7[%add3A_17, %broadcast_in_dim3A_364], %gather3A_388 : memref<64x512xf32, #tpu.memory_space<vmem>>[vector<16xi32>, vector<16xi32>], vector<16xf32>,
      %lt3A_389 = arith.constant 63 : i32
      %lt3A_390 = arith.cmpi slt, %scan3A_179, %lt3A_389 : i32
      %convert_element_type3A_391 = arith.extui %lt3A_390 : i1 to i32
      %cond3A_392 = arith.constant 0 : i32
      %cond3A_393 = arith.cmpi ne, %convert_element_type3A_391, %cond3A_392 : i32
      scf.if %cond3A_393 {
        %slice3A_611 = vector.extract_strided_slice %get3A_184 {offsets = [11], sizes = [1], strides = [1]} : vector<16xi32> to vector<1xi32>
        %squeeze3A_612 = vector.extract %slice3A_611[0] : i32 from vector<1xi32>
        %shift_right_arithmetic3A_613 = arith.constant 7 : i32
        %shift_right_arithmetic3A_614 = arith.shrsi %squeeze3A_612, %shift_right_arithmetic3A_613 : i32
        %shift_left3A_615 = arith.constant 7 : i32
        %shift_left3A_616 = arith.shli %shift_right_arithmetic3A_614, %shift_left3A_615 : i32
        %multiple_of3A_617 = tpu.assume_multiple %shift_left3A_616, 128 : i32
        %dma_start3A_618 = arith.constant 3 : i32
        %dma_start3A_619 = arith.constant 0 : i32
        %dma_start3A_620 = arith.constant 0 : i32
        %dma_start3A_621 = tpu.memref_slice %arg6[%dma_start3A_618, %dma_start3A_619, %dma_start3A_620] : memref<8x64x128xf32, #tpu.memory_space<vmem>> -> memref<1x64x128xf32, #tpu.memory_space<vmem>>
        %dma_start3A_622 = tpu.memref_squeeze %dma_start3A_621 : memref<1x64x128xf32, #tpu.memory_space<vmem>> -> memref<64x128xf32, #tpu.memory_space<vmem>>
        %dma_start3A_623 = arith.constant 0 : i32
        %dma_start3A_624 = tpu.memref_slice %arg3[%dma_start3A_623, %multiple_of3A_617] : memref<64x1000001xf32, #tpu.memory_space<hbm>> -> memref<64x128xf32, #tpu.memory_space<hbm>>
        %dma_start3A_625 = arith.constant 0 : i32
        %dma_start3A_626 = arith.constant 0 : i32
        %dma_start3A_627 = tpu.memref_slice %arg6[%dma_start3A_618, %dma_start3A_625, %dma_start3A_626] : memref<8x64x128xf32, #tpu.memory_space<vmem>> -> memref<1x64x128xf32, #tpu.memory_space<vmem>>
        %dma_start3A_628 = tpu.memref_squeeze %dma_start3A_627 : memref<1x64x128xf32, #tpu.memory_space<vmem>> -> memref<64x128xf32, #tpu.memory_space<vmem>>
        %dma_start3A_629 = arith.constant 0 : i32
        %dma_start3A_630 = tpu.memref_slice %arg3[%dma_start3A_629, %multiple_of3A_617] : memref<64x1000001xf32, #tpu.memory_space<hbm>> -> memref<64x128xf32, #tpu.memory_space<hbm>>
        tpu.enqueue_dma source(%dma_start3A_630 : memref<64x128xf32, #tpu.memory_space<hbm>>) target(%dma_start3A_628 : memref<64x128xf32, #tpu.memory_space<vmem>>) target_semaphore(%arg11 : memref<!tpu.dma_semaphore, #tpu.memory_space<semaphore_mem>>)
      } else {
      }
      %dma_wait3A_394 = arith.constant 4 : i32
      %dma_wait3A_395 = arith.constant 0 : i32
      %dma_wait3A_396 = arith.constant 0 : i32
      %dma_wait3A_397 = tpu.memref_slice %arg6[%dma_wait3A_394, %dma_wait3A_395, %dma_wait3A_396] : memref<8x64x128xf32, #tpu.memory_space<vmem>> -> memref<1x64x128xf32, #tpu.memory_space<vmem>>
      %dma_wait3A_398 = tpu.memref_squeeze %dma_wait3A_397 : memref<1x64x128xf32, #tpu.memory_space<vmem>> -> memref<64x128xf32, #tpu.memory_space<vmem>>
      %dma_wait3A_399 = arith.constant 0 : i32
      %dma_wait3A_400 = arith.constant 0 : i32
      %dma_wait3A_401 = tpu.memref_slice %arg3[%dma_wait3A_399, %dma_wait3A_400] : memref<64x1000001xf32, #tpu.memory_space<hbm>> -> memref<64x128xf32, #tpu.memory_space<hbm>>
      %dma_wait3A_402 = arith.constant 0 : i32
      %dma_wait3A_403 = arith.constant 0 : i32
      %dma_wait3A_404 = tpu.memref_slice %arg6[%dma_wait3A_394, %dma_wait3A_402, %dma_wait3A_403] : memref<8x64x128xf32, #tpu.memory_space<vmem>> -> memref<1x64x128xf32, #tpu.memory_space<vmem>>
      %dma_wait3A_405 = tpu.memref_squeeze %dma_wait3A_404 : memref<1x64x128xf32, #tpu.memory_space<vmem>> -> memref<64x128xf32, #tpu.memory_space<vmem>>
      %dma_wait3A_406 = arith.constant 0 : i32
      %dma_wait3A_407 = arith.constant 0 : i32
      %dma_wait3A_408 = tpu.memref_slice %arg3[%dma_wait3A_406, %dma_wait3A_407] : memref<64x1000001xf32, #tpu.memory_space<hbm>> -> memref<64x128xf32, #tpu.memory_space<hbm>>
      tpu.wait_dma2 semaphore(%arg12 : memref<!tpu.dma_semaphore, #tpu.memory_space<semaphore_mem>>) src(%dma_wait3A_408 : memref<64x128xf32, #tpu.memory_space<hbm>>) dst(%dma_wait3A_405 : memref<64x128xf32, #tpu.memory_space<vmem>>)
      %slice3A_409 = vector.extract_strided_slice %get3A_184 {offsets = [4], sizes = [1], strides = [1]} : vector<16xi32> to vector<1xi32>
      %squeeze3A_410 = vector.extract %slice3A_409[0] : i32 from vector<1xi32>
      %and3A_411 = arith.constant 127 : i32
      %and3A_412 = arith.andi %squeeze3A_410, %and3A_411 : i32
      %broadcast_in_dim3A_413 = vector.broadcast %and3A_412 : i32 to vector<16xi32>
      %mul3A_414 = arith.constant 8 : i32
      %mul3A_415 = arith.muli %scan3A_179, %mul3A_414 : i32
      %add3A_416 = arith.constant 4 : i32
      %add3A_417 = arith.addi %mul3A_415, %add3A_416 : i32
      %broadcast_in_dim3A_418 = vector.broadcast %add3A_417 : i32 to vector<16xi32>
      %gather3A_419 = arith.constant 4 : i32
      %gather3A_420 = arith.constant 0 : i32
      %gather3A_421 = arith.constant 0 : i32
      %gather3A_422 = tpu.memref_slice %arg6[%gather3A_419, %gather3A_420, %gather3A_421] : memref<8x64x128xf32, #tpu.memory_space<vmem>> -> memref<1x64x128xf32, #tpu.memory_space<vmem>>
      %gather3A_423 = tpu.memref_squeeze %gather3A_422 : memref<1x64x128xf32, #tpu.memory_space<vmem>> -> memref<64x128xf32, #tpu.memory_space<vmem>>
      %gather3A_424 = tpu.vector_load_idx %gather3A_423[%add3A_5, %broadcast_in_dim3A_413] : memref<64x128xf32, #tpu.memory_space<vmem>>[vector<16xi32>, vector<16xi32>], vector<16xf32>,
      tpu.vector_store_idx %arg7[%add3A_5, %broadcast_in_dim3A_418], %gather3A_424 : memref<64x512xf32, #tpu.memory_space<vmem>>[vector<16xi32>, vector<16xi32>], vector<16xf32>,
      %gather3A_425 = arith.constant 4 : i32
      %gather3A_426 = arith.constant 0 : i32
      %gather3A_427 = arith.constant 0 : i32
      %gather3A_428 = tpu.memref_slice %arg6[%gather3A_425, %gather3A_426, %gather3A_427] : memref<8x64x128xf32, #tpu.memory_space<vmem>> -> memref<1x64x128xf32, #tpu.memory_space<vmem>>
      %gather3A_429 = tpu.memref_squeeze %gather3A_428 : memref<1x64x128xf32, #tpu.memory_space<vmem>> -> memref<64x128xf32, #tpu.memory_space<vmem>>
      %gather3A_430 = tpu.vector_load_idx %gather3A_429[%add3A_9, %broadcast_in_dim3A_413] : memref<64x128xf32, #tpu.memory_space<vmem>>[vector<16xi32>, vector<16xi32>], vector<16xf32>,
      tpu.vector_store_idx %arg7[%add3A_9, %broadcast_in_dim3A_418], %gather3A_430 : memref<64x512xf32, #tpu.memory_space<vmem>>[vector<16xi32>, vector<16xi32>], vector<16xf32>,
      %gather3A_431 = arith.constant 4 : i32
      %gather3A_432 = arith.constant 0 : i32
      %gather3A_433 = arith.constant 0 : i32
      %gather3A_434 = tpu.memref_slice %arg6[%gather3A_431, %gather3A_432, %gather3A_433] : memref<8x64x128xf32, #tpu.memory_space<vmem>> -> memref<1x64x128xf32, #tpu.memory_space<vmem>>
      %gather3A_435 = tpu.memref_squeeze %gather3A_434 : memref<1x64x128xf32, #tpu.memory_space<vmem>> -> memref<64x128xf32, #tpu.memory_space<vmem>>
      %gather3A_436 = tpu.vector_load_idx %gather3A_435[%add3A_13, %broadcast_in_dim3A_413] : memref<64x128xf32, #tpu.memory_space<vmem>>[vector<16xi32>, vector<16xi32>], vector<16xf32>,
      tpu.vector_store_idx %arg7[%add3A_13, %broadcast_in_dim3A_418], %gather3A_436 : memref<64x512xf32, #tpu.memory_space<vmem>>[vector<16xi32>, vector<16xi32>], vector<16xf32>,
      %gather3A_437 = arith.constant 4 : i32
      %gather3A_438 = arith.constant 0 : i32
      %gather3A_439 = arith.constant 0 : i32
      %gather3A_440 = tpu.memref_slice %arg6[%gather3A_437, %gather3A_438, %gather3A_439] : memref<8x64x128xf32, #tpu.memory_space<vmem>> -> memref<1x64x128xf32, #tpu.memory_space<vmem>>
      %gather3A_441 = tpu.memref_squeeze %gather3A_440 : memref<1x64x128xf32, #tpu.memory_space<vmem>> -> memref<64x128xf32, #tpu.memory_space<vmem>>
      %gather3A_442 = tpu.vector_load_idx %gather3A_441[%add3A_17, %broadcast_in_dim3A_413] : memref<64x128xf32, #tpu.memory_space<vmem>>[vector<16xi32>, vector<16xi32>], vector<16xf32>,
      tpu.vector_store_idx %arg7[%add3A_17, %broadcast_in_dim3A_418], %gather3A_442 : memref<64x512xf32, #tpu.memory_space<vmem>>[vector<16xi32>, vector<16xi32>], vector<16xf32>,
      %lt3A_443 = arith.constant 63 : i32
      %lt3A_444 = arith.cmpi slt, %scan3A_179, %lt3A_443 : i32
      %convert_element_type3A_445 = arith.extui %lt3A_444 : i1 to i32
      %cond3A_446 = arith.constant 0 : i32
      %cond3A_447 = arith.cmpi ne, %convert_element_type3A_445, %cond3A_446 : i32
      scf.if %cond3A_447 {
        %slice3A_611 = vector.extract_strided_slice %get3A_184 {offsets = [12], sizes = [1], strides = [1]} : vector<16xi32> to vector<1xi32>
        %squeeze3A_612 = vector.extract %slice3A_611[0] : i32 from vector<1xi32>
        %shift_right_arithmetic3A_613 = arith.constant 7 : i32
        %shift_right_arithmetic3A_614 = arith.shrsi %squeeze3A_612, %shift_right_arithmetic3A_613 : i32
        %shift_left3A_615 = arith.constant 7 : i32
        %shift_left3A_616 = arith.shli %shift_right_arithmetic3A_614, %shift_left3A_615 : i32
        %multiple_of3A_617 = tpu.assume_multiple %shift_left3A_616, 128 : i32
        %dma_start3A_618 = arith.constant 4 : i32
        %dma_start3A_619 = arith.constant 0 : i32
        %dma_start3A_620 = arith.constant 0 : i32
        %dma_start3A_621 = tpu.memref_slice %arg6[%dma_start3A_618, %dma_start3A_619, %dma_start3A_620] : memref<8x64x128xf32, #tpu.memory_space<vmem>> -> memref<1x64x128xf32, #tpu.memory_space<vmem>>
        %dma_start3A_622 = tpu.memref_squeeze %dma_start3A_621 : memref<1x64x128xf32, #tpu.memory_space<vmem>> -> memref<64x128xf32, #tpu.memory_space<vmem>>
        %dma_start3A_623 = arith.constant 0 : i32
        %dma_start3A_624 = tpu.memref_slice %arg3[%dma_start3A_623, %multiple_of3A_617] : memref<64x1000001xf32, #tpu.memory_space<hbm>> -> memref<64x128xf32, #tpu.memory_space<hbm>>
        %dma_start3A_625 = arith.constant 0 : i32
        %dma_start3A_626 = arith.constant 0 : i32
        %dma_start3A_627 = tpu.memref_slice %arg6[%dma_start3A_618, %dma_start3A_625, %dma_start3A_626] : memref<8x64x128xf32, #tpu.memory_space<vmem>> -> memref<1x64x128xf32, #tpu.memory_space<vmem>>
        %dma_start3A_628 = tpu.memref_squeeze %dma_start3A_627 : memref<1x64x128xf32, #tpu.memory_space<vmem>> -> memref<64x128xf32, #tpu.memory_space<vmem>>
        %dma_start3A_629 = arith.constant 0 : i32
        %dma_start3A_630 = tpu.memref_slice %arg3[%dma_start3A_629, %multiple_of3A_617] : memref<64x1000001xf32, #tpu.memory_space<hbm>> -> memref<64x128xf32, #tpu.memory_space<hbm>>
        tpu.enqueue_dma source(%dma_start3A_630 : memref<64x128xf32, #tpu.memory_space<hbm>>) target(%dma_start3A_628 : memref<64x128xf32, #tpu.memory_space<vmem>>) target_semaphore(%arg12 : memref<!tpu.dma_semaphore, #tpu.memory_space<semaphore_mem>>)
      } else {
      }
      %dma_wait3A_448 = arith.constant 5 : i32
      %dma_wait3A_449 = arith.constant 0 : i32
      %dma_wait3A_450 = arith.constant 0 : i32
      %dma_wait3A_451 = tpu.memref_slice %arg6[%dma_wait3A_448, %dma_wait3A_449, %dma_wait3A_450] : memref<8x64x128xf32, #tpu.memory_space<vmem>> -> memref<1x64x128xf32, #tpu.memory_space<vmem>>
      %dma_wait3A_452 = tpu.memref_squeeze %dma_wait3A_451 : memref<1x64x128xf32, #tpu.memory_space<vmem>> -> memref<64x128xf32, #tpu.memory_space<vmem>>
      %dma_wait3A_453 = arith.constant 0 : i32
      %dma_wait3A_454 = arith.constant 0 : i32
      %dma_wait3A_455 = tpu.memref_slice %arg3[%dma_wait3A_453, %dma_wait3A_454] : memref<64x1000001xf32, #tpu.memory_space<hbm>> -> memref<64x128xf32, #tpu.memory_space<hbm>>
      %dma_wait3A_456 = arith.constant 0 : i32
      %dma_wait3A_457 = arith.constant 0 : i32
      %dma_wait3A_458 = tpu.memref_slice %arg6[%dma_wait3A_448, %dma_wait3A_456, %dma_wait3A_457] : memref<8x64x128xf32, #tpu.memory_space<vmem>> -> memref<1x64x128xf32, #tpu.memory_space<vmem>>
      %dma_wait3A_459 = tpu.memref_squeeze %dma_wait3A_458 : memref<1x64x128xf32, #tpu.memory_space<vmem>> -> memref<64x128xf32, #tpu.memory_space<vmem>>
      %dma_wait3A_460 = arith.constant 0 : i32
      %dma_wait3A_461 = arith.constant 0 : i32
      %dma_wait3A_462 = tpu.memref_slice %arg3[%dma_wait3A_460, %dma_wait3A_461] : memref<64x1000001xf32, #tpu.memory_space<hbm>> -> memref<64x128xf32, #tpu.memory_space<hbm>>
      tpu.wait_dma2 semaphore(%arg13 : memref<!tpu.dma_semaphore, #tpu.memory_space<semaphore_mem>>) src(%dma_wait3A_462 : memref<64x128xf32, #tpu.memory_space<hbm>>) dst(%dma_wait3A_459 : memref<64x128xf32, #tpu.memory_space<vmem>>)
      %slice3A_463 = vector.extract_strided_slice %get3A_184 {offsets = [5], sizes = [1], strides = [1]} : vector<16xi32> to vector<1xi32>
      %squeeze3A_464 = vector.extract %slice3A_463[0] : i32 from vector<1xi32>
      %and3A_465 = arith.constant 127 : i32
      %and3A_466 = arith.andi %squeeze3A_464, %and3A_465 : i32
      %broadcast_in_dim3A_467 = vector.broadcast %and3A_466 : i32 to vector<16xi32>
      %mul3A_468 = arith.constant 8 : i32
      %mul3A_469 = arith.muli %scan3A_179, %mul3A_468 : i32
      %add3A_470 = arith.constant 5 : i32
      %add3A_471 = arith.addi %mul3A_469, %add3A_470 : i32
      %broadcast_in_dim3A_472 = vector.broadcast %add3A_471 : i32 to vector<16xi32>
      %gather3A_473 = arith.constant 5 : i32
      %gather3A_474 = arith.constant 0 : i32
      %gather3A_475 = arith.constant 0 : i32
      %gather3A_476 = tpu.memref_slice %arg6[%gather3A_473, %gather3A_474, %gather3A_475] : memref<8x64x128xf32, #tpu.memory_space<vmem>> -> memref<1x64x128xf32, #tpu.memory_space<vmem>>
      %gather3A_477 = tpu.memref_squeeze %gather3A_476 : memref<1x64x128xf32, #tpu.memory_space<vmem>> -> memref<64x128xf32, #tpu.memory_space<vmem>>
      %gather3A_478 = tpu.vector_load_idx %gather3A_477[%add3A_5, %broadcast_in_dim3A_467] : memref<64x128xf32, #tpu.memory_space<vmem>>[vector<16xi32>, vector<16xi32>], vector<16xf32>,
      tpu.vector_store_idx %arg7[%add3A_5, %broadcast_in_dim3A_472], %gather3A_478 : memref<64x512xf32, #tpu.memory_space<vmem>>[vector<16xi32>, vector<16xi32>], vector<16xf32>,
      %gather3A_479 = arith.constant 5 : i32
      %gather3A_480 = arith.constant 0 : i32
      %gather3A_481 = arith.constant 0 : i32
      %gather3A_482 = tpu.memref_slice %arg6[%gather3A_479, %gather3A_480, %gather3A_481] : memref<8x64x128xf32, #tpu.memory_space<vmem>> -> memref<1x64x128xf32, #tpu.memory_space<vmem>>
      %gather3A_483 = tpu.memref_squeeze %gather3A_482 : memref<1x64x128xf32, #tpu.memory_space<vmem>> -> memref<64x128xf32, #tpu.memory_space<vmem>>
      %gather3A_484 = tpu.vector_load_idx %gather3A_483[%add3A_9, %broadcast_in_dim3A_467] : memref<64x128xf32, #tpu.memory_space<vmem>>[vector<16xi32>, vector<16xi32>], vector<16xf32>,
      tpu.vector_store_idx %arg7[%add3A_9, %broadcast_in_dim3A_472], %gather3A_484 : memref<64x512xf32, #tpu.memory_space<vmem>>[vector<16xi32>, vector<16xi32>], vector<16xf32>,
      %gather3A_485 = arith.constant 5 : i32
      %gather3A_486 = arith.constant 0 : i32
      %gather3A_487 = arith.constant 0 : i32
      %gather3A_488 = tpu.memref_slice %arg6[%gather3A_485, %gather3A_486, %gather3A_487] : memref<8x64x128xf32, #tpu.memory_space<vmem>> -> memref<1x64x128xf32, #tpu.memory_space<vmem>>
      %gather3A_489 = tpu.memref_squeeze %gather3A_488 : memref<1x64x128xf32, #tpu.memory_space<vmem>> -> memref<64x128xf32, #tpu.memory_space<vmem>>
      %gather3A_490 = tpu.vector_load_idx %gather3A_489[%add3A_13, %broadcast_in_dim3A_467] : memref<64x128xf32, #tpu.memory_space<vmem>>[vector<16xi32>, vector<16xi32>], vector<16xf32>,
      tpu.vector_store_idx %arg7[%add3A_13, %broadcast_in_dim3A_472], %gather3A_490 : memref<64x512xf32, #tpu.memory_space<vmem>>[vector<16xi32>, vector<16xi32>], vector<16xf32>,
      %gather3A_491 = arith.constant 5 : i32
      %gather3A_492 = arith.constant 0 : i32
      %gather3A_493 = arith.constant 0 : i32
      %gather3A_494 = tpu.memref_slice %arg6[%gather3A_491, %gather3A_492, %gather3A_493] : memref<8x64x128xf32, #tpu.memory_space<vmem>> -> memref<1x64x128xf32, #tpu.memory_space<vmem>>
      %gather3A_495 = tpu.memref_squeeze %gather3A_494 : memref<1x64x128xf32, #tpu.memory_space<vmem>> -> memref<64x128xf32, #tpu.memory_space<vmem>>
      %gather3A_496 = tpu.vector_load_idx %gather3A_495[%add3A_17, %broadcast_in_dim3A_467] : memref<64x128xf32, #tpu.memory_space<vmem>>[vector<16xi32>, vector<16xi32>], vector<16xf32>,
      tpu.vector_store_idx %arg7[%add3A_17, %broadcast_in_dim3A_472], %gather3A_496 : memref<64x512xf32, #tpu.memory_space<vmem>>[vector<16xi32>, vector<16xi32>], vector<16xf32>,
      %lt3A_497 = arith.constant 63 : i32
      %lt3A_498 = arith.cmpi slt, %scan3A_179, %lt3A_497 : i32
      %convert_element_type3A_499 = arith.extui %lt3A_498 : i1 to i32
      %cond3A_500 = arith.constant 0 : i32
      %cond3A_501 = arith.cmpi ne, %convert_element_type3A_499, %cond3A_500 : i32
      scf.if %cond3A_501 {
        %slice3A_611 = vector.extract_strided_slice %get3A_184 {offsets = [13], sizes = [1], strides = [1]} : vector<16xi32> to vector<1xi32>
        %squeeze3A_612 = vector.extract %slice3A_611[0] : i32 from vector<1xi32>
        %shift_right_arithmetic3A_613 = arith.constant 7 : i32
        %shift_right_arithmetic3A_614 = arith.shrsi %squeeze3A_612, %shift_right_arithmetic3A_613 : i32
        %shift_left3A_615 = arith.constant 7 : i32
        %shift_left3A_616 = arith.shli %shift_right_arithmetic3A_614, %shift_left3A_615 : i32
        %multiple_of3A_617 = tpu.assume_multiple %shift_left3A_616, 128 : i32
        %dma_start3A_618 = arith.constant 5 : i32
        %dma_start3A_619 = arith.constant 0 : i32
        %dma_start3A_620 = arith.constant 0 : i32
        %dma_start3A_621 = tpu.memref_slice %arg6[%dma_start3A_618, %dma_start3A_619, %dma_start3A_620] : memref<8x64x128xf32, #tpu.memory_space<vmem>> -> memref<1x64x128xf32, #tpu.memory_space<vmem>>
        %dma_start3A_622 = tpu.memref_squeeze %dma_start3A_621 : memref<1x64x128xf32, #tpu.memory_space<vmem>> -> memref<64x128xf32, #tpu.memory_space<vmem>>
        %dma_start3A_623 = arith.constant 0 : i32
        %dma_start3A_624 = tpu.memref_slice %arg3[%dma_start3A_623, %multiple_of3A_617] : memref<64x1000001xf32, #tpu.memory_space<hbm>> -> memref<64x128xf32, #tpu.memory_space<hbm>>
        %dma_start3A_625 = arith.constant 0 : i32
        %dma_start3A_626 = arith.constant 0 : i32
        %dma_start3A_627 = tpu.memref_slice %arg6[%dma_start3A_618, %dma_start3A_625, %dma_start3A_626] : memref<8x64x128xf32, #tpu.memory_space<vmem>> -> memref<1x64x128xf32, #tpu.memory_space<vmem>>
        %dma_start3A_628 = tpu.memref_squeeze %dma_start3A_627 : memref<1x64x128xf32, #tpu.memory_space<vmem>> -> memref<64x128xf32, #tpu.memory_space<vmem>>
        %dma_start3A_629 = arith.constant 0 : i32
        %dma_start3A_630 = tpu.memref_slice %arg3[%dma_start3A_629, %multiple_of3A_617] : memref<64x1000001xf32, #tpu.memory_space<hbm>> -> memref<64x128xf32, #tpu.memory_space<hbm>>
        tpu.enqueue_dma source(%dma_start3A_630 : memref<64x128xf32, #tpu.memory_space<hbm>>) target(%dma_start3A_628 : memref<64x128xf32, #tpu.memory_space<vmem>>) target_semaphore(%arg13 : memref<!tpu.dma_semaphore, #tpu.memory_space<semaphore_mem>>)
      } else {
      }
      %dma_wait3A_502 = arith.constant 6 : i32
      %dma_wait3A_503 = arith.constant 0 : i32
      %dma_wait3A_504 = arith.constant 0 : i32
      %dma_wait3A_505 = tpu.memref_slice %arg6[%dma_wait3A_502, %dma_wait3A_503, %dma_wait3A_504] : memref<8x64x128xf32, #tpu.memory_space<vmem>> -> memref<1x64x128xf32, #tpu.memory_space<vmem>>
      %dma_wait3A_506 = tpu.memref_squeeze %dma_wait3A_505 : memref<1x64x128xf32, #tpu.memory_space<vmem>> -> memref<64x128xf32, #tpu.memory_space<vmem>>
      %dma_wait3A_507 = arith.constant 0 : i32
      %dma_wait3A_508 = arith.constant 0 : i32
      %dma_wait3A_509 = tpu.memref_slice %arg3[%dma_wait3A_507, %dma_wait3A_508] : memref<64x1000001xf32, #tpu.memory_space<hbm>> -> memref<64x128xf32, #tpu.memory_space<hbm>>
      %dma_wait3A_510 = arith.constant 0 : i32
      %dma_wait3A_511 = arith.constant 0 : i32
      %dma_wait3A_512 = tpu.memref_slice %arg6[%dma_wait3A_502, %dma_wait3A_510, %dma_wait3A_511] : memref<8x64x128xf32, #tpu.memory_space<vmem>> -> memref<1x64x128xf32, #tpu.memory_space<vmem>>
      %dma_wait3A_513 = tpu.memref_squeeze %dma_wait3A_512 : memref<1x64x128xf32, #tpu.memory_space<vmem>> -> memref<64x128xf32, #tpu.memory_space<vmem>>
      %dma_wait3A_514 = arith.constant 0 : i32
      %dma_wait3A_515 = arith.constant 0 : i32
      %dma_wait3A_516 = tpu.memref_slice %arg3[%dma_wait3A_514, %dma_wait3A_515] : memref<64x1000001xf32, #tpu.memory_space<hbm>> -> memref<64x128xf32, #tpu.memory_space<hbm>>
      tpu.wait_dma2 semaphore(%arg14 : memref<!tpu.dma_semaphore, #tpu.memory_space<semaphore_mem>>) src(%dma_wait3A_516 : memref<64x128xf32, #tpu.memory_space<hbm>>) dst(%dma_wait3A_513 : memref<64x128xf32, #tpu.memory_space<vmem>>)
      %slice3A_517 = vector.extract_strided_slice %get3A_184 {offsets = [6], sizes = [1], strides = [1]} : vector<16xi32> to vector<1xi32>
      %squeeze3A_518 = vector.extract %slice3A_517[0] : i32 from vector<1xi32>
      %and3A_519 = arith.constant 127 : i32
      %and3A_520 = arith.andi %squeeze3A_518, %and3A_519 : i32
      %broadcast_in_dim3A_521 = vector.broadcast %and3A_520 : i32 to vector<16xi32>
      %mul3A_522 = arith.constant 8 : i32
      %mul3A_523 = arith.muli %scan3A_179, %mul3A_522 : i32
      %add3A_524 = arith.constant 6 : i32
      %add3A_525 = arith.addi %mul3A_523, %add3A_524 : i32
      %broadcast_in_dim3A_526 = vector.broadcast %add3A_525 : i32 to vector<16xi32>
      %gather3A_527 = arith.constant 6 : i32
      %gather3A_528 = arith.constant 0 : i32
      %gather3A_529 = arith.constant 0 : i32
      %gather3A_530 = tpu.memref_slice %arg6[%gather3A_527, %gather3A_528, %gather3A_529] : memref<8x64x128xf32, #tpu.memory_space<vmem>> -> memref<1x64x128xf32, #tpu.memory_space<vmem>>
      %gather3A_531 = tpu.memref_squeeze %gather3A_530 : memref<1x64x128xf32, #tpu.memory_space<vmem>> -> memref<64x128xf32, #tpu.memory_space<vmem>>
      %gather3A_532 = tpu.vector_load_idx %gather3A_531[%add3A_5, %broadcast_in_dim3A_521] : memref<64x128xf32, #tpu.memory_space<vmem>>[vector<16xi32>, vector<16xi32>], vector<16xf32>,
      tpu.vector_store_idx %arg7[%add3A_5, %broadcast_in_dim3A_526], %gather3A_532 : memref<64x512xf32, #tpu.memory_space<vmem>>[vector<16xi32>, vector<16xi32>], vector<16xf32>,
      %gather3A_533 = arith.constant 6 : i32
      %gather3A_534 = arith.constant 0 : i32
      %gather3A_535 = arith.constant 0 : i32
      %gather3A_536 = tpu.memref_slice %arg6[%gather3A_533, %gather3A_534, %gather3A_535] : memref<8x64x128xf32, #tpu.memory_space<vmem>> -> memref<1x64x128xf32, #tpu.memory_space<vmem>>
      %gather3A_537 = tpu.memref_squeeze %gather3A_536 : memref<1x64x128xf32, #tpu.memory_space<vmem>> -> memref<64x128xf32, #tpu.memory_space<vmem>>
      %gather3A_538 = tpu.vector_load_idx %gather3A_537[%add3A_9, %broadcast_in_dim3A_521] : memref<64x128xf32, #tpu.memory_space<vmem>>[vector<16xi32>, vector<16xi32>], vector<16xf32>,
      tpu.vector_store_idx %arg7[%add3A_9, %broadcast_in_dim3A_526], %gather3A_538 : memref<64x512xf32, #tpu.memory_space<vmem>>[vector<16xi32>, vector<16xi32>], vector<16xf32>,
      %gather3A_539 = arith.constant 6 : i32
      %gather3A_540 = arith.constant 0 : i32
      %gather3A_541 = arith.constant 0 : i32
      %gather3A_542 = tpu.memref_slice %arg6[%gather3A_539, %gather3A_540, %gather3A_541] : memref<8x64x128xf32, #tpu.memory_space<vmem>> -> memref<1x64x128xf32, #tpu.memory_space<vmem>>
      %gather3A_543 = tpu.memref_squeeze %gather3A_542 : memref<1x64x128xf32, #tpu.memory_space<vmem>> -> memref<64x128xf32, #tpu.memory_space<vmem>>
      %gather3A_544 = tpu.vector_load_idx %gather3A_543[%add3A_13, %broadcast_in_dim3A_521] : memref<64x128xf32, #tpu.memory_space<vmem>>[vector<16xi32>, vector<16xi32>], vector<16xf32>,
      tpu.vector_store_idx %arg7[%add3A_13, %broadcast_in_dim3A_526], %gather3A_544 : memref<64x512xf32, #tpu.memory_space<vmem>>[vector<16xi32>, vector<16xi32>], vector<16xf32>,
      %gather3A_545 = arith.constant 6 : i32
      %gather3A_546 = arith.constant 0 : i32
      %gather3A_547 = arith.constant 0 : i32
      %gather3A_548 = tpu.memref_slice %arg6[%gather3A_545, %gather3A_546, %gather3A_547] : memref<8x64x128xf32, #tpu.memory_space<vmem>> -> memref<1x64x128xf32, #tpu.memory_space<vmem>>
      %gather3A_549 = tpu.memref_squeeze %gather3A_548 : memref<1x64x128xf32, #tpu.memory_space<vmem>> -> memref<64x128xf32, #tpu.memory_space<vmem>>
      %gather3A_550 = tpu.vector_load_idx %gather3A_549[%add3A_17, %broadcast_in_dim3A_521] : memref<64x128xf32, #tpu.memory_space<vmem>>[vector<16xi32>, vector<16xi32>], vector<16xf32>,
      tpu.vector_store_idx %arg7[%add3A_17, %broadcast_in_dim3A_526], %gather3A_550 : memref<64x512xf32, #tpu.memory_space<vmem>>[vector<16xi32>, vector<16xi32>], vector<16xf32>,
      %lt3A_551 = arith.constant 63 : i32
      %lt3A_552 = arith.cmpi slt, %scan3A_179, %lt3A_551 : i32
      %convert_element_type3A_553 = arith.extui %lt3A_552 : i1 to i32
      %cond3A_554 = arith.constant 0 : i32
      %cond3A_555 = arith.cmpi ne, %convert_element_type3A_553, %cond3A_554 : i32
      scf.if %cond3A_555 {
        %slice3A_611 = vector.extract_strided_slice %get3A_184 {offsets = [14], sizes = [1], strides = [1]} : vector<16xi32> to vector<1xi32>
        %squeeze3A_612 = vector.extract %slice3A_611[0] : i32 from vector<1xi32>
        %shift_right_arithmetic3A_613 = arith.constant 7 : i32
        %shift_right_arithmetic3A_614 = arith.shrsi %squeeze3A_612, %shift_right_arithmetic3A_613 : i32
        %shift_left3A_615 = arith.constant 7 : i32
        %shift_left3A_616 = arith.shli %shift_right_arithmetic3A_614, %shift_left3A_615 : i32
        %multiple_of3A_617 = tpu.assume_multiple %shift_left3A_616, 128 : i32
        %dma_start3A_618 = arith.constant 6 : i32
        %dma_start3A_619 = arith.constant 0 : i32
        %dma_start3A_620 = arith.constant 0 : i32
        %dma_start3A_621 = tpu.memref_slice %arg6[%dma_start3A_618, %dma_start3A_619, %dma_start3A_620] : memref<8x64x128xf32, #tpu.memory_space<vmem>> -> memref<1x64x128xf32, #tpu.memory_space<vmem>>
        %dma_start3A_622 = tpu.memref_squeeze %dma_start3A_621 : memref<1x64x128xf32, #tpu.memory_space<vmem>> -> memref<64x128xf32, #tpu.memory_space<vmem>>
        %dma_start3A_623 = arith.constant 0 : i32
        %dma_start3A_624 = tpu.memref_slice %arg3[%dma_start3A_623, %multiple_of3A_617] : memref<64x1000001xf32, #tpu.memory_space<hbm>> -> memref<64x128xf32, #tpu.memory_space<hbm>>
        %dma_start3A_625 = arith.constant 0 : i32
        %dma_start3A_626 = arith.constant 0 : i32
        %dma_start3A_627 = tpu.memref_slice %arg6[%dma_start3A_618, %dma_start3A_625, %dma_start3A_626] : memref<8x64x128xf32, #tpu.memory_space<vmem>> -> memref<1x64x128xf32, #tpu.memory_space<vmem>>
        %dma_start3A_628 = tpu.memref_squeeze %dma_start3A_627 : memref<1x64x128xf32, #tpu.memory_space<vmem>> -> memref<64x128xf32, #tpu.memory_space<vmem>>
        %dma_start3A_629 = arith.constant 0 : i32
        %dma_start3A_630 = tpu.memref_slice %arg3[%dma_start3A_629, %multiple_of3A_617] : memref<64x1000001xf32, #tpu.memory_space<hbm>> -> memref<64x128xf32, #tpu.memory_space<hbm>>
        tpu.enqueue_dma source(%dma_start3A_630 : memref<64x128xf32, #tpu.memory_space<hbm>>) target(%dma_start3A_628 : memref<64x128xf32, #tpu.memory_space<vmem>>) target_semaphore(%arg14 : memref<!tpu.dma_semaphore, #tpu.memory_space<semaphore_mem>>)
      } else {
      }
      %dma_wait3A_556 = arith.constant 7 : i32
      %dma_wait3A_557 = arith.constant 0 : i32
      %dma_wait3A_558 = arith.constant 0 : i32
      %dma_wait3A_559 = tpu.memref_slice %arg6[%dma_wait3A_556, %dma_wait3A_557, %dma_wait3A_558] : memref<8x64x128xf32, #tpu.memory_space<vmem>> -> memref<1x64x128xf32, #tpu.memory_space<vmem>>
      %dma_wait3A_560 = tpu.memref_squeeze %dma_wait3A_559 : memref<1x64x128xf32, #tpu.memory_space<vmem>> -> memref<64x128xf32, #tpu.memory_space<vmem>>
      %dma_wait3A_561 = arith.constant 0 : i32
      %dma_wait3A_562 = arith.constant 0 : i32
      %dma_wait3A_563 = tpu.memref_slice %arg3[%dma_wait3A_561, %dma_wait3A_562] : memref<64x1000001xf32, #tpu.memory_space<hbm>> -> memref<64x128xf32, #tpu.memory_space<hbm>>
      %dma_wait3A_564 = arith.constant 0 : i32
      %dma_wait3A_565 = arith.constant 0 : i32
      %dma_wait3A_566 = tpu.memref_slice %arg6[%dma_wait3A_556, %dma_wait3A_564, %dma_wait3A_565] : memref<8x64x128xf32, #tpu.memory_space<vmem>> -> memref<1x64x128xf32, #tpu.memory_space<vmem>>
      %dma_wait3A_567 = tpu.memref_squeeze %dma_wait3A_566 : memref<1x64x128xf32, #tpu.memory_space<vmem>> -> memref<64x128xf32, #tpu.memory_space<vmem>>
      %dma_wait3A_568 = arith.constant 0 : i32
      %dma_wait3A_569 = arith.constant 0 : i32
      %dma_wait3A_570 = tpu.memref_slice %arg3[%dma_wait3A_568, %dma_wait3A_569] : memref<64x1000001xf32, #tpu.memory_space<hbm>> -> memref<64x128xf32, #tpu.memory_space<hbm>>
      tpu.wait_dma2 semaphore(%arg15 : memref<!tpu.dma_semaphore, #tpu.memory_space<semaphore_mem>>) src(%dma_wait3A_570 : memref<64x128xf32, #tpu.memory_space<hbm>>) dst(%dma_wait3A_567 : memref<64x128xf32, #tpu.memory_space<vmem>>)
      %slice3A_571 = vector.extract_strided_slice %get3A_184 {offsets = [7], sizes = [1], strides = [1]} : vector<16xi32> to vector<1xi32>
      %squeeze3A_572 = vector.extract %slice3A_571[0] : i32 from vector<1xi32>
      %and3A_573 = arith.constant 127 : i32
      %and3A_574 = arith.andi %squeeze3A_572, %and3A_573 : i32
      %broadcast_in_dim3A_575 = vector.broadcast %and3A_574 : i32 to vector<16xi32>
      %mul3A_576 = arith.constant 8 : i32
      %mul3A_577 = arith.muli %scan3A_179, %mul3A_576 : i32
      %add3A_578 = arith.constant 7 : i32
      %add3A_579 = arith.addi %mul3A_577, %add3A_578 : i32
      %broadcast_in_dim3A_580 = vector.broadcast %add3A_579 : i32 to vector<16xi32>
      %gather3A_581 = arith.constant 7 : i32
      %gather3A_582 = arith.constant 0 : i32
      %gather3A_583 = arith.constant 0 : i32
      %gather3A_584 = tpu.memref_slice %arg6[%gather3A_581, %gather3A_582, %gather3A_583] : memref<8x64x128xf32, #tpu.memory_space<vmem>> -> memref<1x64x128xf32, #tpu.memory_space<vmem>>
      %gather3A_585 = tpu.memref_squeeze %gather3A_584 : memref<1x64x128xf32, #tpu.memory_space<vmem>> -> memref<64x128xf32, #tpu.memory_space<vmem>>
      %gather3A_586 = tpu.vector_load_idx %gather3A_585[%add3A_5, %broadcast_in_dim3A_575] : memref<64x128xf32, #tpu.memory_space<vmem>>[vector<16xi32>, vector<16xi32>], vector<16xf32>,
      tpu.vector_store_idx %arg7[%add3A_5, %broadcast_in_dim3A_580], %gather3A_586 : memref<64x512xf32, #tpu.memory_space<vmem>>[vector<16xi32>, vector<16xi32>], vector<16xf32>,
      %gather3A_587 = arith.constant 7 : i32
      %gather3A_588 = arith.constant 0 : i32
      %gather3A_589 = arith.constant 0 : i32
      %gather3A_590 = tpu.memref_slice %arg6[%gather3A_587, %gather3A_588, %gather3A_589] : memref<8x64x128xf32, #tpu.memory_space<vmem>> -> memref<1x64x128xf32, #tpu.memory_space<vmem>>
      %gather3A_591 = tpu.memref_squeeze %gather3A_590 : memref<1x64x128xf32, #tpu.memory_space<vmem>> -> memref<64x128xf32, #tpu.memory_space<vmem>>
      %gather3A_592 = tpu.vector_load_idx %gather3A_591[%add3A_9, %broadcast_in_dim3A_575] : memref<64x128xf32, #tpu.memory_space<vmem>>[vector<16xi32>, vector<16xi32>], vector<16xf32>,
      tpu.vector_store_idx %arg7[%add3A_9, %broadcast_in_dim3A_580], %gather3A_592 : memref<64x512xf32, #tpu.memory_space<vmem>>[vector<16xi32>, vector<16xi32>], vector<16xf32>,
      %gather3A_593 = arith.constant 7 : i32
      %gather3A_594 = arith.constant 0 : i32
      %gather3A_595 = arith.constant 0 : i32
      %gather3A_596 = tpu.memref_slice %arg6[%gather3A_593, %gather3A_594, %gather3A_595] : memref<8x64x128xf32, #tpu.memory_space<vmem>> -> memref<1x64x128xf32, #tpu.memory_space<vmem>>
      %gather3A_597 = tpu.memref_squeeze %gather3A_596 : memref<1x64x128xf32, #tpu.memory_space<vmem>> -> memref<64x128xf32, #tpu.memory_space<vmem>>
      %gather3A_598 = tpu.vector_load_idx %gather3A_597[%add3A_13, %broadcast_in_dim3A_575] : memref<64x128xf32, #tpu.memory_space<vmem>>[vector<16xi32>, vector<16xi32>], vector<16xf32>,
      tpu.vector_store_idx %arg7[%add3A_13, %broadcast_in_dim3A_580], %gather3A_598 : memref<64x512xf32, #tpu.memory_space<vmem>>[vector<16xi32>, vector<16xi32>], vector<16xf32>,
      %gather3A_599 = arith.constant 7 : i32
      %gather3A_600 = arith.constant 0 : i32
      %gather3A_601 = arith.constant 0 : i32
      %gather3A_602 = tpu.memref_slice %arg6[%gather3A_599, %gather3A_600, %gather3A_601] : memref<8x64x128xf32, #tpu.memory_space<vmem>> -> memref<1x64x128xf32, #tpu.memory_space<vmem>>
      %gather3A_603 = tpu.memref_squeeze %gather3A_602 : memref<1x64x128xf32, #tpu.memory_space<vmem>> -> memref<64x128xf32, #tpu.memory_space<vmem>>
      %gather3A_604 = tpu.vector_load_idx %gather3A_603[%add3A_17, %broadcast_in_dim3A_575] : memref<64x128xf32, #tpu.memory_space<vmem>>[vector<16xi32>, vector<16xi32>], vector<16xf32>,
      tpu.vector_store_idx %arg7[%add3A_17, %broadcast_in_dim3A_580], %gather3A_604 : memref<64x512xf32, #tpu.memory_space<vmem>>[vector<16xi32>, vector<16xi32>], vector<16xf32>,
      %lt3A_605 = arith.constant 63 : i32
      %lt3A_606 = arith.cmpi slt, %scan3A_179, %lt3A_605 : i32
      %convert_element_type3A_607 = arith.extui %lt3A_606 : i1 to i32
      %cond3A_608 = arith.constant 0 : i32
      %cond3A_609 = arith.cmpi ne, %convert_element_type3A_607, %cond3A_608 : i32
      scf.if %cond3A_609 {
        %slice3A_611 = vector.extract_strided_slice %get3A_184 {offsets = [15], sizes = [1], strides = [1]} : vector<16xi32> to vector<1xi32>
        %squeeze3A_612 = vector.extract %slice3A_611[0] : i32 from vector<1xi32>
        %shift_right_arithmetic3A_613 = arith.constant 7 : i32
        %shift_right_arithmetic3A_614 = arith.shrsi %squeeze3A_612, %shift_right_arithmetic3A_613 : i32
        %shift_left3A_615 = arith.constant 7 : i32
        %shift_left3A_616 = arith.shli %shift_right_arithmetic3A_614, %shift_left3A_615 : i32
        %multiple_of3A_617 = tpu.assume_multiple %shift_left3A_616, 128 : i32
        %dma_start3A_618 = arith.constant 7 : i32
        %dma_start3A_619 = arith.constant 0 : i32
        %dma_start3A_620 = arith.constant 0 : i32
        %dma_start3A_621 = tpu.memref_slice %arg6[%dma_start3A_618, %dma_start3A_619, %dma_start3A_620] : memref<8x64x128xf32, #tpu.memory_space<vmem>> -> memref<1x64x128xf32, #tpu.memory_space<vmem>>
        %dma_start3A_622 = tpu.memref_squeeze %dma_start3A_621 : memref<1x64x128xf32, #tpu.memory_space<vmem>> -> memref<64x128xf32, #tpu.memory_space<vmem>>
        %dma_start3A_623 = arith.constant 0 : i32
        %dma_start3A_624 = tpu.memref_slice %arg3[%dma_start3A_623, %multiple_of3A_617] : memref<64x1000001xf32, #tpu.memory_space<hbm>> -> memref<64x128xf32, #tpu.memory_space<hbm>>
        %dma_start3A_625 = arith.constant 0 : i32
        %dma_start3A_626 = arith.constant 0 : i32
        %dma_start3A_627 = tpu.memref_slice %arg6[%dma_start3A_618, %dma_start3A_625, %dma_start3A_626] : memref<8x64x128xf32, #tpu.memory_space<vmem>> -> memref<1x64x128xf32, #tpu.memory_space<vmem>>
        %dma_start3A_628 = tpu.memref_squeeze %dma_start3A_627 : memref<1x64x128xf32, #tpu.memory_space<vmem>> -> memref<64x128xf32, #tpu.memory_space<vmem>>
        %dma_start3A_629 = arith.constant 0 : i32
        %dma_start3A_630 = tpu.memref_slice %arg3[%dma_start3A_629, %multiple_of3A_617] : memref<64x1000001xf32, #tpu.memory_space<hbm>> -> memref<64x128xf32, #tpu.memory_space<hbm>>
        tpu.enqueue_dma source(%dma_start3A_630 : memref<64x128xf32, #tpu.memory_space<hbm>>) target(%dma_start3A_628 : memref<64x128xf32, #tpu.memory_space<vmem>>) target_semaphore(%arg15 : memref<!tpu.dma_semaphore, #tpu.memory_space<semaphore_mem>>)
      } else {
      }
      %scan3A_610 = arith.constant 0 : i32
      scf.yield %scan3A_610 : i32
    }
    %scan3A_178 = arith.constant 64 : i32
    "tpu.region"() ({
      %run_scoped3A = tpu.sem_alloc : memref<!tpu.dma_semaphore, #tpu.memory_space<semaphore_mem>>
      %dma_start3A_179 = arith.constant 0 : i32
      %dma_start3A_180 = tpu.memref_slice %arg4[%dma_start3A_179, %mul3A_2] : memref<64x16384xf32, #tpu.memory_space<hbm>> -> memref<64x512xf32, #tpu.memory_space<hbm>>
      %dma_start3A_181 = arith.constant 0 : i32
      %dma_start3A_182 = tpu.memref_slice %arg4[%dma_start3A_181, %mul3A_2] : memref<64x16384xf32, #tpu.memory_space<hbm>> -> memref<64x512xf32, #tpu.memory_space<hbm>>
      tpu.enqueue_dma source(%arg7 : memref<64x512xf32, #tpu.memory_space<vmem>>) target(%dma_start3A_182 : memref<64x512xf32, #tpu.memory_space<hbm>>) target_semaphore(%run_scoped3A : memref<!tpu.dma_semaphore, #tpu.memory_space<semaphore_mem>>)
      %dma_wait3A = arith.constant 0 : i32
      %dma_wait3A_183 = tpu.memref_slice %arg4[%dma_wait3A, %mul3A_2] : memref<64x16384xf32, #tpu.memory_space<hbm>> -> memref<64x512xf32, #tpu.memory_space<hbm>>
      %dma_wait3A_184 = arith.constant 0 : i32
      %dma_wait3A_185 = tpu.memref_slice %arg4[%dma_wait3A_184, %mul3A_2] : memref<64x16384xf32, #tpu.memory_space<hbm>> -> memref<64x512xf32, #tpu.memory_space<hbm>>
      tpu.wait_dma2 semaphore(%run_scoped3A : memref<!tpu.dma_semaphore, #tpu.memory_space<semaphore_mem>>) src(%arg7 : memref<64x512xf32, #tpu.memory_space<vmem>>) dst(%dma_wait3A_185 : memref<64x512xf32, #tpu.memory_space<hbm>>)
      tpu.yield
    }) : () -> ()
    return
  }
}

</mosaic_0001>

<sc_bundles>
// kernel: kernel.3.cloned.1.call-start
scs
__scs_entry_jumppad:
0x0: {  	(pc) =	sbr.rel $0x88, $3  }
0x1: {  	(tag) =	ssettag $0x0;
	lr =	simm.s32 $0x1  }
0x2: {  	[smem:$0x3F9F] =	sst lr;
	_ =	strace $0xD0000000  }
0x3: {  	_ = 	snop  }
0x4: {  	_ = 	snop  }
0x5: {  	_ = 	snop  }
0x6: {  	_ = 	snop  }
0x7: {  	_ = 	snop  }
__scs_overlays_trampoline_lowered:
0x8: {  	[smem:$0x3FAE] =	sst s0  }
0x9: {  	[smem:$0x3FAF] =	sst s1  }
0xa: {  	[smem:$0x3FB0] =	sst s2  }
0xb: {  	[smem:$0x3FB1] =	sst s3  }
0xc: {  	[smem:$0x3FB2] =	sst s4  }
0xd: {  	[smem:$0x3FB3] =	sst s5  }
0xe: {  	[smem:$0x3FB4] =	sst s6  }
0xf: {  	[smem:$0x3FB5] =	sst s7  }
0x10: {  	[smem:$0x3FB6] =	sst s8  }
0x11: {  	[smem:$0x3FB7] =	sst s9;
	s0 =	simm.s32 @!p0 $0x0  }
0x12: {  	s1 =	sld [smem:$0x3F9D];
	s0 =	simm.s32 @p0 $0x1  }
0x13: {  	[smem:$0x3FB8] =	sst s0;
	s0 =	simm.s32 @!p1 $0x0  }
0x14: {  	s2 =	sld [smem:$0x3F9C];
	s0 =	simm.s32 @p1 $0x1  }
0x15: {  	[smem:$0x3FB9] =	sst s0;
	s0 =	simm.s32 @!p2 $0x0  }
0x16: {  	s3 =	sld [smem:$0x3FDB];
	s0 =	simm.s32 @p2 $0x1  }
0x17: {  	s4 =	simm.s32 $0x1BF5;
	[smem:$0x3FBB] =	sst s0  }
0x18: {  	s0 =	sld [smem:$0x3F9E];
	_ =	swait.ge [sflag:s4], $0x0  }
0x19: {  	s7 =	sld [smem:$0x3F9F]  }
0x1a: {  	s8 =	sadd.s32 $0xFFFFE003, lr  }
0x1b: {  	s9 =	sadd.s32 $0xFFFFFEF7, lr;
	s5 =	simm.s32 $0xFFFFFFFF;
	p2 =	slt.u32 s8, $0xFFFFF086  }
0x1c: {  	p1 =	slt.u32 s9, $0xF7A;
	s5 =	simm.s32 @!p2 $0x0  }
0x1d: {  	s5 =	simm.s32 @p1 $0x1;
	p0 =	seq.s32 s7, s2  }
0x1e: {  	s7 =	smul.u32 @!p0 $0xF7A, s2;
	p2 =	seq.s32 @!p0 s5, $0x0  }
0x1f: {  	s9 =	smul.u32 $0xF7A, s1;
	s8 =	simm.s32 @!p0 $0x1BF5;
	p2 =	por !p2, p0  }
0x20: {  	[sflag:s8] =	ssyncset.s32 @!p0 $0xFFFFF086;
	s6 =	sadd.s32 @!p0 s3, s7;
	s7 =	simm.s32 @!p0 $0x108  }
0x21: {  	s3 =	sadd.s32 s3, s9;
	s6 =	sadd.s32 @!p0 $0x88, s6;
	s7 =	simm.s32 @p2 $0x1082  }
0x22: {  	[simem:s7], [sflag:s8] =	dma.local @!p0 [hbm:s6], $0xF7A  }
0x23: {  	s9 =	sor.u32 $0xD0000000, s2;
	s6 =	simm.s32 $0x108;
	_ =	swait.ge @!p0 [sflag:s8], $0x0  }
0x24: {  	s3 =	sadd.s32 $0x88, s3;
	s6 =	simm.s32 @!p1 $0x1082;
	[sflag:s4] =	ssyncset.s32 $0xFFFFF086  }
0x25: {  	[simem:s6], [sflag:s4] =	dma.local [hbm:s3], $0xF7A  }
0x26: {  	[smem:$0x3F9F] =	sst s1;
	(tag) =	ssettag s2;
	_ =	strace s9  }
0x27: {  	s1 =	sld [smem:$0x3FAF]  }
0x28: {  	s2 =	sld [smem:$0x3FB0]  }
0x29: {  	s4 =	sld [smem:$0x3FB2]  }
0x2a: {  	p0 =	seq.s32 s5, $0x0;
	s5 =	sld [smem:$0x3FB3]  }
0x2b: {  	s6 =	sld [smem:$0x3FB4]  }
0x2c: {  	s7 =	sld [smem:$0x3FB5]  }
0x2d: {  	s3 =	simm.s32 $0x108;
	s8 =	sld [smem:$0x3FB6]  }
0x2e: {  	s3 =	simm.s32 @!p0 $0x1082;
	s9 =	sld [smem:$0x3FB7]  }
0x2f: {  	lr =	sadd.s32 s0, s3;
	s0 =	sld [smem:$0x3FAE]  }
0x30: {  	s3 =	sld [smem:$0x3FB1]  }
0x31: {  	[smem:$0x3FBA] =	sst s10  }
0x32: {  	s10 =	sld [smem:$0x3FB8];
	_ =	sdelay $0x3  }
0x33: {  	p0 =	seq.s32 s10, $0x1;
	s10 =	sld [smem:$0x3FBA];
	_ =	sdelay $0x3  }
0x34: {  	[smem:$0x3FBA] =	sst s10  }
0x35: {  	s10 =	sld [smem:$0x3FB9];
	_ =	sdelay $0x3  }
0x36: {  	p1 =	seq.s32 s10, $0x1;
	s10 =	sld [smem:$0x3FBA];
	_ =	sdelay $0x3  }
0x37: {  	[smem:$0x3FBA] =	sst s10  }
0x38: {  	s10 =	sld [smem:$0x3FBB]  }
0x39: {  	_ = 	snop;
	(pc) =	sbr.ind lr, $3  }
0x3a: {  	_ = 	snop  }
0x3b: {  	_ = 	snop  }
0x3c: {  	p2 =	seq.s32 s10, $0x1;
	s10 =	sld [smem:$0x3FBA]  }
0x3d: {  	_ =	shalt  }
0x3e: {  	_ =	shalt  }
0x3f: {  	_ =	shalt  }
0x40: {  	_ =	shalt  }
0x41: {  	_ =	shalt  }
0x42: {  	_ =	shalt  }
0x43: {  	_ =	shalt  }
0x44: {  	_ =	shalt  }
0x45: {  	_ =	shalt  }
0x46: {  	_ =	shalt  }
0x47: {  	_ =	shalt  }
0x48: {  	_ =	shalt  }
0x49: {  	_ =	shalt  }
0x4a: {  	_ =	shalt  }
0x4b: {  	_ =	shalt  }
0x4c: {  	_ =	shalt  }
0x4d: {  	_ =	shalt  }
0x4e: {  	_ =	shalt  }
0x4f: {  	_ =	shalt  }
0x50: {  	_ =	shalt  }
0x51: {  	_ =	shalt  }
0x52: {  	_ =	shalt  }
0x53: {  	_ =	shalt  }
0x54: {  	_ =	shalt  }
0x55: {  	_ =	shalt  }
0x56: {  	_ =	shalt  }
0x57: {  	_ =	shalt  }
0x58: {  	_ =	shalt  }
0x59: {  	_ =	shalt  }
0x5a: {  	_ =	shalt  }
0x5b: {  	_ =	shalt  }
0x5c: {  	_ =	shalt  }
0x5d: {  	_ =	shalt  }
0x5e: {  	_ =	shalt  }
0x5f: {  	_ =	shalt  }
0x60: {  	_ =	shalt  }
0x61: {  	_ =	shalt  }
0x62: {  	_ =	shalt  }
0x63: {  	_ =	shalt  }
0x64: {  	_ =	shalt  }
0x65: {  	_ =	shalt  }
0x66: {  	_ =	shalt  }
0x67: {  	_ =	shalt  }
0x68: {  	_ =	shalt  }
0x69: {  	_ =	shalt  }
0x6a: {  	_ =	shalt  }
0x6b: {  	_ =	shalt  }
0x6c: {  	_ =	shalt  }
0x6d: {  	_ =	shalt  }
0x6e: {  	_ =	shalt  }
0x6f: {  	_ =	shalt  }
0x70: {  	_ =	shalt  }
0x71: {  	_ =	shalt  }
0x72: {  	_ =	shalt  }
0x73: {  	_ =	shalt  }
0x74: {  	_ =	shalt  }
0x75: {  	_ =	shalt  }
0x76: {  	_ =	shalt  }
0x77: {  	_ =	shalt  }
0x78: {  	_ =	shalt  }
0x79: {  	_ =	shalt  }
0x7a: {  	_ =	shalt  }
0x7b: {  	_ =	shalt  }
0x7c: {  	_ =	shalt  }
0x7d: {  	_ =	shalt  }
0x7e: {  	_ =	shalt  }
0x7f: {  	_ =	shalt  }
0x80: {  	_ =	shalt  }
0x81: {  	_ =	shalt  }
0x82: {  	_ =	shalt  }
0x83: {  	_ =	shalt  }
0x84: {  	_ =	shalt  }
0x85: {  	_ =	shalt  }
0x86: {  	_ =	shalt  }
0x87: {  	_ =	shalt  }
.Lfunc_end0:
.L_simem_size_0:
called_computation_lowered:
.L_overlay_start_0:
0x88: {  	s2 =	sld [smem:$0x3FD9]  }
0x89: {  	s3 =	sld [smem:$0x3FFE];
	_ =	sdelay $0x1  }
0x8a: {  	s1 =	srdreg.scid  }
0x8b: {  	s0 =	sand.u32 $0x1, s1  }
0x8c: {  	s18 =	sshll.u32 s0, $0xA;
	s2 =	sadd.s32 s3, s2  }
0x8d: {  	s2 =	sadd.s32 s2, s18  }
0x8e: {  	[smem:$0x3FC6] =	sst s2  }
0x8f: {  	_ = 	snop  }
0x90: {  	s2 =	sld [smem:$0x3FC9]  }
0x91: {  	s19 =	sld [smem:$0x3FC8]  }
0x92: {  	s4 =	sld [smem:$0x3FD0];
	(tm) =	ssettm $0x1  }
0x93: {  	s5 =	sld [smem:$0x3FFB];
	_ =	sdelay $0x3  }
0x94: {  	_ =	strace s5  }
0x95: {  	s5 =	sld [smem:$0x3FFC];
	_ =	sdelay $0x3  }
0x96: {  	_ =	strace s5  }
0x97: {  	s5 =	sld [smem:$0x3FFD];
	_ =	sdelay $0x3  }
0x98: {  	_ =	strace s5  }
0x99: {  	_ =	strace $0x8FFFFFFF  }
0x9a: {  	s20 =	sld [smem:$0x3FDB];
	_ =	sdelay $0x1  }
0x9b: {  	s6 =	simm.s32 $_scs_section_size  }
0x9c: {  	s7 =	simm.s32 $_size__tile_overlayer_lowered;
	s8 =	simm.s32 $_tile_overlayer_lowered  }
0x9d: {  	s23 =	simm.s32 $0x1BFF;
	s22 =	sshll.u32 s8, $0x1;
	s5 =	sadd.s32 s6, s20  }
0x9e: {  	s9 =	simm.s32 $0x0;
	s21 =	sshll.u32 s7, $0x1;
	s7 =	sadd.s32 s22, s5  }
0x9f: {  	[timem:s9], [sflag:s23] =	dma.local [hbm:s7], s21  }
0xa0: {  	_ =	swait.ge [sflag:s23], s21  }
0xa1: {  	s6 =	ssub.s32 $0x0, s21;
	[sflag:s23] =	ssyncset.done $0x0  }
0xa2: {  	[sflag:s23] =	ssyncadd.s32 s6;
	_ =	sdelay $0x1  }
0xa3: {  	s24 =	simm.s32 $0x1B8B  }
0xa4: {  	_ =	swait.ge [sflag:s24], $0x1  }
0xa5: {  	[sflag:s24] =	ssyncset.done $0x0  }
0xa6: {  	s25 =	simm.s32 $0x1B8E;
	[sflag:s24] =	ssyncadd.s32 $0xFFFFFFFF  }
0xa7: {  	s26 =	simm.s32 $execute0_lowered;
	[smem:$0x3FD2] =	sst s25  }
0xa8: {  	s6 =	sshll.u32 s26, $0x1;
	_ =	strace $0x80000046;
	[dreg:$0x1] =	wrdreg $0xFFFFFFFF  }
0xa9: {  	s28 =	simm.s32 $_size_execute0_lowered;
	s5 =	sadd.s32 s5, s6;
	[dreg:$0x0] =	wrdreg $0x0  }
0xaa: {  	s6 =	sshll.u32 s28, $0x1;
	[dreg:$0x2] =	wrdreg s5  }
0xab: {  	[dreg:$0x3] =	wrdreg s6  }
0xac: {  	[dreg:$0x4] =	wrdreg $0xC0  }
0xad: {  	_ =	task [dreg:s9], $0x5FFFF  }
0xae: {  	[dreg:$0x1] =	wrdreg $0xFFFFFFFF  }
0xaf: {  	[dreg:$0x0] =	wrdreg $0x60  }
0xb0: {  	[dreg:$0x2] =	wrdreg s2  }
0xb1: {  	[dreg:$0x3] =	wrdreg s19  }
0xb2: {  	[dreg:$0x4] =	wrdreg s4  }
0xb3: {  	[dreg:$0x5] =	wrdreg $0x9  }
0xb4: {  	_ =	task.clear_ibuf [dreg:s9], $0x6FFFF;
	_ =	strace $0x90000046  }
0xb5: {  	s29 =	simm.s32 $0x9;
	_ =	strace $0x80000048  }
0xb6: {  	_ =	swait.ge [sflag:s29], $0x1  }
0xb7: {  	[sflag:s29] =	ssyncadd.s32 $0xFFFFFFFF  }
0xb8: {  	_ =	strace $0x90000048  }
0xb9: {  	_ =	sfence  }
0xba: {  	s30 =	sld [smem:$0x0];
	_ =	sdelay $0x2  }
0xbb: {  	s31 =	sshll.u32 s1, $0xD;
	s1 =	sshrl.u32 s1, $0x2  }
0xbc: {  	s3 =	sand.u32 $0x4000, s31;
	s1 =	sadd.s32 s1, s30  }
0xbd: {  	s0 =	sor.u32 s3, s0;
	s1 =	sshll.u32 s1, $0x11  }
0xbe: {  	s0 =	sor.u32 s1, s0  }
0xbf: {  	s0 =	sadd.s32 $0x8F2B, s0  }
0xc0: {  	[sflag:s0] =	ssyncadd.remote.s32 $0x1  }
0xc1: {  	_ =	sfence.sel $0xFFFF  }
0xc2: {  	[dreg:$0x0] =	wrdreg $0xFFFFFFFF;
	(pc) =	sbr.abs _section_cstart, $3  }
0xc3: {  	[dreg:$0x1] =	wrdreg $0xFFFFFFFF  }
0xc4: {  	_ =	task.clear_ibuf [dreg:s9], $0x2FFFF;
	_ =	strace $0x9FFFFFFF  }
0xc5: {  	(tm) =	ssettm $0x7FFFFFFF  }
tec
execute0_lowered:
.L_overlay_start_1:
0x0: {  	(tag) =	ssettag $0x1  }
0x1: {  	v0 =	vimm.s32 $0x1380;
	vm14 =	vcmask $0x300;
	vm13 =	vcmask $0x704  }
0x2: {  	vm12 =	vcmask $0xB08;
	vm11 =	vcmask $0xF0C;
	vm10 =	vcmask $0x1310  }
0x3: {  	vm9 =	vcmask $0x1714;
	vm8 =	vcmask $0x1B18;
	vm7 =	vcmask $0x1F1C  }
0x4: {  	vm6 =	vcmask $0x2320;
	vm5 =	vcmask $0x2724;
	vm4 =	vcmask $0x2B28  }
0x5: {  	vm3 =	vcmask $0x2F2C;
	v1 =	vlaneseq.u32;
	vm2 =	vcmask $0x3330  }
0x6: {  	vm1 =	vcmask $0x3734;
	vm0 =	vcmask $0x3B38;
	v3 =	vimm.s32 $0x3380  }
0x7: {  	v4 =	vimm.s32 $0x5380;
	v5 =	vimm.s32 $0x7380;
	v0 =	vsel vm14, $0x0, v0  }
0x8: {  	v3 =	vsel vm14, $0x2000, v3;
	v4 =	vsel vm14, $0x4000, v4;
	v5 =	vsel vm14, $0x6000, v5  }
0x9: {  	v0 =	vsel vm13, $0x80, v0;
	v3 =	vsel vm13, $0x2080, v3;
	v4 =	vsel vm13, $0x4080, v4  }
0xa: {  	v5 =	vsel vm13, $0x6080, v5;
	v0 =	vsel vm12, $0x100, v0;
	v3 =	vsel vm12, $0x2100, v3  }
0xb: {  	v4 =	vsel vm12, $0x4100, v4;
	v5 =	vsel vm12, $0x6100, v5;
	v0 =	vsel vm11, $0x180, v0  }
0xc: {  	v3 =	vsel vm11, $0x2180, v3;
	v4 =	vsel vm11, $0x4180, v4;
	v5 =	vsel vm11, $0x6180, v5  }
0xd: {  	s1 =	rddreg [dreg:$0x0];
	v0 =	vsel vm10, $0x200, v0;
	v3 =	vsel vm10, $0x2200, v3;
	v4 =	vsel vm10, $0x4200, v4  }
0xe: {  	s0 =	rddreg [dreg:$0x1];
	v5 =	vsel vm10, $0x6200, v5;
	v0 =	vsel vm9, $0x280, v0;
	v3 =	vsel vm9, $0x2280, v3  }
0xf: {  	s2 =	rddreg [dreg:$0x2];
	v4 =	vsel vm9, $0x4280, v4;
	v5 =	vsel vm9, $0x6280, v5;
	v0 =	vsel vm8, $0x300, v0  }
0x10: {  	s3 =	srdreg.scid;
	s4 =	stileid.u32;
	v3 =	vsel vm8, $0x2300, v3;
	v4 =	vsel vm8, $0x4300, v4;
	v5 =	vsel vm8, $0x6300, v5  }
0x11: {  	s6 =	simm.s32 $0x0;
	s7 =	simm.s32 $0x9;
	s8 =	simm.s32 $0x7A1400;
	v0 =	vsel vm7, $0x380, v0;
	v3 =	vsel vm7, $0x2380, v3;
	v4 =	vsel vm7, $0x4380, v4  }
0x12: {  	s9 =	simm.s32 $0x400;
	s10 =	simm.s32 $0x280;
	s11 =	simm.s32 $0x2280;
	v5 =	vsel vm7, $0x6380, v5;
	v0 =	vsel vm6, $0x1000, v0;
	v3 =	vsel vm6, $0x3000, v3  }
0x13: {  	s12 =	simm.s32 $0x4280;
	s13 =	simm.s32 $0x6280;
	s14 =	simm.s32 $0x8280;
	v4 =	vsel vm6, $0x5000, v4;
	v5 =	vsel vm6, $0x7000, v5;
	v0 =	vsel vm5, $0x1080, v0  }
0x14: {  	s15 =	simm.s32 $0xA280;
	s16 =	simm.s32 $0xC280;
	s17 =	simm.s32 $0xE280;
	v3 =	vsel vm5, $0x3080, v3;
	v4 =	vsel vm5, $0x5080, v4;
	v5 =	vsel vm5, $0x7080, v5  }
0x15: {  	s18 =	simm.s32 $0x1;
	s19 =	simm.s32 $0x10280;
	s20 =	simm.s32 $0x2;
	v0 =	vsel vm4, $0x1100, v0;
	v3 =	vsel vm4, $0x3100, v3;
	v4 =	vsel vm4, $0x5100, v4  }
0x16: {  	s21 =	simm.s32 $0x3;
	s22 =	simm.s32 $0x4;
	s23 =	simm.s32 $0x5;
	v5 =	vsel vm4, $0x7100, v5;
	v2 =	vsel vm3, $0x1180, v0;
	v0 =	vmul.u32 $0x80, v1  }
0x17: {  	s24 =	simm.s32 $0x6;
	s25 =	simm.s32 $0x7;
	s26 =	simm.s32 $0x8;
	v3 =	vsel vm3, $0x3180, v3;
	v4 =	vsel vm3, $0x5180, v4;
	v5 =	vsel vm3, $0x7180, v5  }
.Ltmp0:
0x18: {  	s30 =	simm.s32 $0x0;
	s3 =	sand.u32 $0x1, s3;
	v1 =	vsel vm2, $0x1200, v2;
	v3 =	vsel vm2, $0x3200, v3;
	v6 =	vsel vm2, $0x5200, v4;
	(pc) =	sbr.rel .LBB2_1-.Ltmp0, $4  }
0x19: {  	s4 =	sshll.u32 s4, $0xA;
	s5 =	sshll.u32 s3, $0x9;
	s3 =	ssub.s32 $0x2, s3;
	v5 =	vsel vm2, $0x7200, v5;
	v1 =	vsel vm1, $0x1280, v1;
	v2 =	vor.u32 $0x800, v0  }
0x1a: {  	[smem:$0x7FF] =	sst s6;
	s5 =	sor.u32 s5, s4;
	s29 =	sshrl.u32 s3, $0x1;
	v3 =	vsel vm1, $0x3280, v3;
	v4 =	vor.u32 $0x1000, v0;
	v6 =	vsel vm1, $0x5280, v6  }
0x1b: {  	_ =	strace $0x80000047;
	s31 =	sshrl.u32 s5, $0x3;
	s3 =	ssub.s32 s3, s29;
	v7 =	vsel vm1, $0x7280, v5;
	v1 =	vsel vm0, $0x1300, v1;
	v3 =	vsel vm0, $0x3300, v3  }
0x1c: {  	s5 =	sadd.s32 s2, s5;
	s4 =	sadd.s32 s1, s31;
	s6 =	smax.u32 s3, $0x1;
	v5 =	vsel vm0, $0x5300, v6;
	v6 =	vor.u32 $0x1800, v0;
	v7 =	vsel vm0, $0x7300, v7  }
.LBB2_4:
0x1d: {  	s30 =	sadd.s32 $0x1, s30  }
0x1e: {  	p0 =	sne.s32 s30, s6  }
.Ltmp1:
0x1f: {  	s1 =	simm.s32 $0x1000;
	s2 =	simm.s32 $0x20000;
	(pc) =	sbr.rel @!p0 .LBB2_5-.Ltmp1, $4  }
0x20: {  	[hbm4b:s5+s1] =	stream.strided.scatter [tilespmem:s19], [sflag:$0x9], $0x8000, s2, s1, $0x38;
	[tilespmem:$0x18280] =	vst v63  }
0x21: {  	_ =	swait.ge [sflag:s7], $0x8000  }
0x22: {  	[sflag:s7] =	ssyncset.done $0x0  }
0x23: {  	[sflag:s7] =	ssyncadd.s32 $0xFFFF8000  }
.LBB2_1:
0x24: {  	s1 =	simm.s32 $0x0  }
0x25: {  	[tilespmem:s1], [sflag:$0x9] =	stream.linear.gather [hbm4b:s4+s1], $0x200, $0x38;
	[tilespmem:$0x18280] =	vst v63  }
0x26: {  	_ =	swait.ge [sflag:s7], $0x200  }
0x27: {  	[sflag:s7] =	ssyncset.done $0x0  }
0x28: {  	[sflag:s7] =	ssyncadd.s32 $0xFFFFFE00  }
0x29: {  	v8 =	vld [tilespmem:$0x0];
	_ =	sdelay $0x4  }
0x2a: {  	(v2sf) =	vpush v8, $0x0  }
0x2b: {  	(v2sf) =	vpush v8, $0x1;
	_ =	sdelay $0x1  }
0x2c: {  	(v2sf) =	vpush v8, $0x2;
	_ =	sdelay $0x4  }
0x2d: {  	(v2sf) =	vpush v8, $0x3  }
0x2e: {  	(v2sf) =	vpush v8, $0x4;
	_ =	sdelay $0x5  }
0x2f: {  	s3 =	spop (v2sf);
	(v2sf) =	vpush v8, $0x5  }
0x30: {  	s28 =	spop (v2sf);
	(v2sf) =	vpush v8, $0x6  }
0x31: {  	s1 =	sand.u32 $0xFFFFF80, s3  }
0x32: {  	s1 =	sadd.s32 s0, s1;
	s29 =	spop (v2sf)  }
0x33: {  	(v2sf) =	vpush v8, $0x7;
	[tilespmem:s10], [sflag:$0x1] =	stream.strided.gather [hbm4b:s1+s9], $0x2000, s8, s9, $0x38;
	[tilespmem:$0x18280] =	vst v63  }
0x34: {  	s1 =	sand.u32 $0xFFFFF80, s28  }
0x35: {  	s1 =	sadd.s32 s0, s1  }
0x36: {  	[tilespmem:s11], [sflag:$0x2] =	stream.strided.gather [hbm4b:s1+s9], $0x2000, s8, s9, $0x38;
	[tilespmem:$0x18280] =	vst v63  }
0x37: {  	s2 =	spop (v2sf);
	s1 =	sand.u32 $0xFFFFF80, s29  }
0x38: {  	s2 =	sand.u32 $0xFFFFF80, s2;
	s3 =	spop (v2sf);
	s1 =	sadd.s32 s0, s1  }
0x39: {  	[tilespmem:s12], [sflag:$0x3] =	stream.strided.gather [hbm4b:s1+s9], $0x2000, s8, s9, $0x38;
	[tilespmem:$0x18280] =	vst v63  }
0x3a: {  	s28 =	sand.u32 $0xFFFFF80, s3;
	s1 =	sadd.s32 s0, s2  }
0x3b: {  	[tilespmem:s13], [sflag:$0x4] =	stream.strided.gather [hbm4b:s1+s9], $0x2000, s8, s9, $0x38;
	[tilespmem:$0x18280] =	vst v63  }
0x3c: {  	s1 =	sadd.s32 s0, s28  }
0x3d: {  	[tilespmem:s14], [sflag:$0x5] =	stream.strided.gather [hbm4b:s1+s9], $0x2000, s8, s9, $0x38;
	[tilespmem:$0x18280] =	vst v63  }
0x3e: {  	s29 =	spop (v2sf)  }
0x3f: {  	s2 =	sand.u32 $0xFFFFF80, s29;
	s3 =	spop (v2sf)  }
0x40: {  	s1 =	sadd.s32 s0, s2;
	s28 =	sand.u32 $0xFFFFF80, s3  }
0x41: {  	[tilespmem:s15], [sflag:$0x6] =	stream.strided.gather [hbm4b:s1+s9], $0x2000, s8, s9, $0x38;
	[tilespmem:$0x18280] =	vst v63  }
0x42: {  	s29 =	spop (v2sf);
	s1 =	sadd.s32 s0, s28  }
0x43: {  	[tilespmem:s16], [sflag:$0x7] =	stream.strided.gather [hbm4b:s1+s9], $0x2000, s8, s9, $0x38;
	[tilespmem:$0x18280] =	vst v63  }
0x44: {  	s1 =	sand.u32 $0xFFFFF80, s29  }
0x45: {  	s1 =	sadd.s32 s0, s1  }
0x46: {  	[tilespmem:s17], [sflag:$0x8] =	stream.strided.gather [hbm4b:s1+s9], $0x2000, s8, s9, $0x38;
	[tilespmem:$0x18280] =	vst v63  }
0x47: {  	s31 =	simm.s32 $0x0;
	s1 =	simm.s32 $0x7  }
.LBB2_2:
0x48: {  	v8 =	vld [tilespmem:s31+$0x0];
	_ =	sdelay $0x3  }
0x49: {  	_ =	swait.ge [sflag:s18], $0x2000  }
0x4a: {  	(v2sf) =	vpush v8, $0x0;
	_ =	sdelay $0xe  }
0x4b: {  	s2 =	spop (v2sf)  }
0x4c: {  	s2 =	sand.u32 $0x7F, s2  }
0x4d: {  	s3 =	sadd.s32 $0xFFFFFFF9, s1;
	v9 =	vor.u32 s2, v0  }
0x4e: {  	v10 =	vmov s3  }
0x4f: {  	v11 =	vshll.u32 v10, $0x3  }
0x50: {  	[sflag:s18] =	ssyncset.done $0x0;
	v10 =	vand.u32 $0x78, v10;
	v11 =	vand.u32 $0xC00, v11  }
0x51: {  	[sflag:s18] =	ssyncadd.s32 $0xFFFFE000;
	v10 =	vor.u32 v10, v11  }
0x52: {  	v11 =	vor.u32 v1, v10;
	v9 =	vld.idx.msk [tilespmem:v9+s10+$0x0], $0xffff  }
0x53: {  	v12 =	vor.u32 s2, v2;
	_ =	sdelay $0x3  }
0x54: {  	p0 =	seq.s32 s1, $0x1FF;
	[tilespmem:v11+s19+$0x0] =	vst.idx.msk $0xffff, v9  }
0x55: {  	(v2sf) =	vpush @!p0 v8, $0x8;
	v11 =	vor.u32 v3, v10;
	v9 =	vld.idx.msk [tilespmem:v12+s10+$0x0], $0xffff  }
0x56: {  	v41 =	vor.u32 s2, v4;
	_ =	sdelay $0x3  }
0x57: {  	[tilespmem:v11+s19+$0x0] =	vst.idx.msk $0xffff, v9  }
0x58: {  	v11 =	vor.u32 v5, v10;
	v9 =	vld.idx.msk [tilespmem:v41+s10+$0x0], $0xffff  }
0x59: {  	v42 =	vor.u32 s2, v6;
	_ =	sdelay $0x3  }
0x5a: {  	[tilespmem:v11+s19+$0x0] =	vst.idx.msk $0xffff, v9  }
0x5b: {  	v10 =	vor.u32 v7, v10;
	v9 =	vld.idx.msk [tilespmem:v42+s10+$0x0], $0xffff;
	_ =	sdelay $0x2  }
0x5c: {  	s2 =	spop @!p0 (v2sf)  }
0x5d: {  	s3 =	simm.s32 @!p0 $0x7A1400;
	s2 =	sand.u32 @!p0 $0xFFFFF80, s2  }
0x5e: {  	s29 =	simm.s32 @!p0 $0x280;
	s28 =	sadd.s32 @!p0 s0, s2;
	s2 =	simm.s32 @!p0 $0x400;
	[tilespmem:v10+s19+$0x0] =	vst.idx.msk $0xffff, v9  }
0x5f: {  	[tilespmem:s29], [sflag:$0x1] =	stream.strided.gather @!p0 [hbm4b:s28+s2], $0x2000, s3, s2, $0x38;
	[tilespmem:$0x18280] =	vst v63  }
0x60: {  	_ =	swait.ge [sflag:s20], $0x2000  }
0x61: {  	(v2sf) =	vpush v8, $0x1;
	_ =	sdelay $0xe  }
0x62: {  	s29 =	spop (v2sf)  }
0x63: {  	s28 =	sand.u32 $0x7F, s29  }
0x64: {  	s29 =	sadd.s32 $0xFFFFFFFA, s1;
	v9 =	vor.u32 s28, v0  }
0x65: {  	v10 =	vmov s29  }
0x66: {  	v11 =	vshll.u32 v10, $0x3  }
0x67: {  	[sflag:s20] =	ssyncset.done $0x0;
	v10 =	vand.u32 $0x79, v10;
	v11 =	vand.u32 $0xC00, v11  }
0x68: {  	[sflag:s20] =	ssyncadd.s32 $0xFFFFE000;
	v10 =	vor.u32 v10, v11  }
0x69: {  	v11 =	vor.u32 v1, v10;
	v9 =	vld.idx.msk [tilespmem:v9+s11+$0x0], $0xffff  }
0x6a: {  	v43 =	vor.u32 s28, v2;
	_ =	sdelay $0x3  }
0x6b: {  	[tilespmem:v11+s19+$0x0] =	vst.idx.msk $0xffff, v9  }
0x6c: {  	(v2sf) =	vpush @!p0 v8, $0x9;
	v11 =	vor.u32 v3, v10;
	v9 =	vld.idx.msk [tilespmem:v43+s11+$0x0], $0xffff  }
0x6d: {  	v44 =	vor.u32 s28, v4;
	_ =	sdelay $0x3  }
0x6e: {  	[tilespmem:v11+s19+$0x0] =	vst.idx.msk $0xffff, v9  }
0x6f: {  	v11 =	vor.u32 v5, v10;
	v9 =	vld.idx.msk [tilespmem:v44+s11+$0x0], $0xffff  }
0x70: {  	v45 =	vor.u32 s28, v6;
	_ =	sdelay $0x3  }
0x71: {  	[tilespmem:v11+s19+$0x0] =	vst.idx.msk $0xffff, v9  }
0x72: {  	v10 =	vor.u32 v7, v10;
	v9 =	vld.idx.msk [tilespmem:v45+s11+$0x0], $0xffff;
	_ =	sdelay $0x2  }
0x73: {  	s28 =	spop @!p0 (v2sf)  }
0x74: {  	s28 =	sand.u32 @!p0 $0xFFFFF80, s28  }
0x75: {  	s29 =	simm.s32 @!p0 $0x2280;
	s28 =	sadd.s32 @!p0 s0, s28;
	[tilespmem:v10+s19+$0x0] =	vst.idx.msk $0xffff, v9  }
0x76: {  	[tilespmem:s29], [sflag:$0x2] =	stream.strided.gather @!p0 [hbm4b:s28+s2], $0x2000, s3, s2, $0x38;
	[tilespmem:$0x18280] =	vst v63  }
0x77: {  	_ =	swait.ge [sflag:s21], $0x2000  }
0x78: {  	(v2sf) =	vpush v8, $0x2;
	_ =	sdelay $0xe  }
0x79: {  	s29 =	spop (v2sf)  }
0x7a: {  	s28 =	sand.u32 $0x7F, s29  }
0x7b: {  	s29 =	sadd.s32 $0xFFFFFFFB, s1;
	v9 =	vor.u32 s28, v0  }
0x7c: {  	v10 =	vmov s29  }
0x7d: {  	v11 =	vshll.u32 v10, $0x3  }
0x7e: {  	[sflag:s21] =	ssyncset.done $0x0;
	v10 =	vand.u32 $0x7A, v10;
	v11 =	vand.u32 $0xC00, v11  }
0x7f: {  	[sflag:s21] =	ssyncadd.s32 $0xFFFFE000;
	v10 =	vor.u32 v10, v11  }
0x80: {  	v11 =	vor.u32 v1, v10;
	v9 =	vld.idx.msk [tilespmem:v9+s12+$0x0], $0xffff  }
0x81: {  	v46 =	vor.u32 s28, v2;
	_ =	sdelay $0x3  }
0x82: {  	[tilespmem:v11+s19+$0x0] =	vst.idx.msk $0xffff, v9  }
0x83: {  	(v2sf) =	vpush @!p0 v8, $0xA;
	v11 =	vor.u32 v3, v10;
	v9 =	vld.idx.msk [tilespmem:v46+s12+$0x0], $0xffff  }
0x84: {  	v47 =	vor.u32 s28, v4;
	_ =	sdelay $0x3  }
0x85: {  	[tilespmem:v11+s19+$0x0] =	vst.idx.msk $0xffff, v9  }
0x86: {  	v11 =	vor.u32 v5, v10;
	v9 =	vld.idx.msk [tilespmem:v47+s12+$0x0], $0xffff  }
0x87: {  	v48 =	vor.u32 s28, v6;
	_ =	sdelay $0x3  }
0x88: {  	[tilespmem:v11+s19+$0x0] =	vst.idx.msk $0xffff, v9  }
0x89: {  	v10 =	vor.u32 v7, v10;
	v9 =	vld.idx.msk [tilespmem:v48+s12+$0x0], $0xffff;
	_ =	sdelay $0x2  }
0x8a: {  	s28 =	spop @!p0 (v2sf)  }
0x8b: {  	s28 =	sand.u32 @!p0 $0xFFFFF80, s28  }
0x8c: {  	s29 =	simm.s32 @!p0 $0x4280;
	s28 =	sadd.s32 @!p0 s0, s28;
	[tilespmem:v10+s19+$0x0] =	vst.idx.msk $0xffff, v9  }
0x8d: {  	[tilespmem:s29], [sflag:$0x3] =	stream.strided.gather @!p0 [hbm4b:s28+s2], $0x2000, s3, s2, $0x38;
	[tilespmem:$0x18280] =	vst v63  }
0x8e: {  	_ =	swait.ge [sflag:s22], $0x2000  }
0x8f: {  	(v2sf) =	vpush v8, $0x3;
	_ =	sdelay $0xe  }
0x90: {  	s29 =	spop (v2sf)  }
0x91: {  	s28 =	sand.u32 $0x7F, s29  }
0x92: {  	s29 =	sadd.s32 $0xFFFFFFFC, s1;
	v9 =	vor.u32 s28, v0  }
0x93: {  	v10 =	vmov s29  }
0x94: {  	v11 =	vshll.u32 v10, $0x3  }
0x95: {  	[sflag:s22] =	ssyncset.done $0x0;
	v10 =	vand.u32 $0x7B, v10;
	v11 =	vand.u32 $0xC00, v11  }
0x96: {  	[sflag:s22] =	ssyncadd.s32 $0xFFFFE000;
	v10 =	vor.u32 v10, v11  }
0x97: {  	v11 =	vor.u32 v1, v10;
	v9 =	vld.idx.msk [tilespmem:v9+s13+$0x0], $0xffff  }
0x98: {  	v49 =	vor.u32 s28, v2;
	_ =	sdelay $0x3  }
0x99: {  	[tilespmem:v11+s19+$0x0] =	vst.idx.msk $0xffff, v9  }
0x9a: {  	(v2sf) =	vpush @!p0 v8, $0xB;
	v11 =	vor.u32 v3, v10;
	v9 =	vld.idx.msk [tilespmem:v49+s13+$0x0], $0xffff  }
0x9b: {  	v50 =	vor.u32 s28, v4;
	_ =	sdelay $0x3  }
0x9c: {  	[tilespmem:v11+s19+$0x0] =	vst.idx.msk $0xffff, v9  }
0x9d: {  	v11 =	vor.u32 v5, v10;
	v9 =	vld.idx.msk [tilespmem:v50+s13+$0x0], $0xffff  }
0x9e: {  	v51 =	vor.u32 s28, v6;
	_ =	sdelay $0x3  }
0x9f: {  	[tilespmem:v11+s19+$0x0] =	vst.idx.msk $0xffff, v9  }
0xa0: {  	v10 =	vor.u32 v7, v10;
	v9 =	vld.idx.msk [tilespmem:v51+s13+$0x0], $0xffff;
	_ =	sdelay $0x2  }
0xa1: {  	s28 =	spop @!p0 (v2sf)  }
0xa2: {  	s28 =	sand.u32 @!p0 $0xFFFFF80, s28  }
0xa3: {  	s29 =	simm.s32 @!p0 $0x6280;
	s28 =	sadd.s32 @!p0 s0, s28;
	[tilespmem:v10+s19+$0x0] =	vst.idx.msk $0xffff, v9  }
0xa4: {  	[tilespmem:s29], [sflag:$0x4] =	stream.strided.gather @!p0 [hbm4b:s28+s2], $0x2000, s3, s2, $0x38;
	[tilespmem:$0x18280] =	vst v63  }
0xa5: {  	_ =	swait.ge [sflag:s23], $0x2000  }
0xa6: {  	(v2sf) =	vpush v8, $0x4;
	_ =	sdelay $0xe  }
0xa7: {  	s29 =	spop (v2sf)  }
0xa8: {  	s28 =	sand.u32 $0x7F, s29  }
0xa9: {  	s29 =	sadd.s32 $0xFFFFFFFD, s1;
	v9 =	vor.u32 s28, v0  }
0xaa: {  	v10 =	vmov s29  }
0xab: {  	v11 =	vshll.u32 v10, $0x3  }
0xac: {  	[sflag:s23] =	ssyncset.done $0x0;
	v10 =	vand.u32 $0x7C, v10;
	v11 =	vand.u32 $0xC00, v11  }
0xad: {  	[sflag:s23] =	ssyncadd.s32 $0xFFFFE000;
	v10 =	vor.u32 v10, v11  }
0xae: {  	v11 =	vor.u32 v1, v10;
	v9 =	vld.idx.msk [tilespmem:v9+s14+$0x0], $0xffff  }
0xaf: {  	v52 =	vor.u32 s28, v2;
	_ =	sdelay $0x3  }
0xb0: {  	[tilespmem:v11+s19+$0x0] =	vst.idx.msk $0xffff, v9  }
0xb1: {  	(v2sf) =	vpush @!p0 v8, $0xC;
	v11 =	vor.u32 v3, v10;
	v9 =	vld.idx.msk [tilespmem:v52+s14+$0x0], $0xffff  }
0xb2: {  	v53 =	vor.u32 s28, v4;
	_ =	sdelay $0x3  }
0xb3: {  	[tilespmem:v11+s19+$0x0] =	vst.idx.msk $0xffff, v9  }
0xb4: {  	v11 =	vor.u32 v5, v10;
	v9 =	vld.idx.msk [tilespmem:v53+s14+$0x0], $0xffff  }
0xb5: {  	v54 =	vor.u32 s28, v6;
	_ =	sdelay $0x3  }
0xb6: {  	[tilespmem:v11+s19+$0x0] =	vst.idx.msk $0xffff, v9  }
0xb7: {  	v10 =	vor.u32 v7, v10;
	v9 =	vld.idx.msk [tilespmem:v54+s14+$0x0], $0xffff;
	_ =	sdelay $0x2  }
0xb8: {  	s28 =	spop @!p0 (v2sf)  }
0xb9: {  	s28 =	sand.u32 @!p0 $0xFFFFF80, s28  }
0xba: {  	s29 =	simm.s32 @!p0 $0x8280;
	s28 =	sadd.s32 @!p0 s0, s28;
	[tilespmem:v10+s19+$0x0] =	vst.idx.msk $0xffff, v9  }
0xbb: {  	[tilespmem:s29], [sflag:$0x5] =	stream.strided.gather @!p0 [hbm4b:s28+s2], $0x2000, s3, s2, $0x38;
	[tilespmem:$0x18280] =	vst v63  }
0xbc: {  	_ =	swait.ge [sflag:s24], $0x2000  }
0xbd: {  	(v2sf) =	vpush v8, $0x5;
	_ =	sdelay $0xe  }
0xbe: {  	s29 =	spop (v2sf)  }
0xbf: {  	s28 =	sand.u32 $0x7F, s29  }
0xc0: {  	s29 =	sadd.s32 $0xFFFFFFFE, s1;
	v9 =	vor.u32 s28, v0  }
0xc1: {  	v10 =	vmov s29  }
0xc2: {  	v11 =	vshll.u32 v10, $0x3  }
0xc3: {  	[sflag:s24] =	ssyncset.done $0x0;
	v10 =	vand.u32 $0x7D, v10;
	v11 =	vand.u32 $0xC00, v11  }
0xc4: {  	[sflag:s24] =	ssyncadd.s32 $0xFFFFE000;
	v10 =	vor.u32 v10, v11  }
0xc5: {  	v11 =	vor.u32 v1, v10;
	v9 =	vld.idx.msk [tilespmem:v9+s15+$0x0], $0xffff  }
0xc6: {  	v55 =	vor.u32 s28, v2;
	_ =	sdelay $0x3  }
0xc7: {  	[tilespmem:v11+s19+$0x0] =	vst.idx.msk $0xffff, v9  }
0xc8: {  	(v2sf) =	vpush @!p0 v8, $0xD;
	v11 =	vor.u32 v3, v10;
	v9 =	vld.idx.msk [tilespmem:v55+s15+$0x0], $0xffff  }
0xc9: {  	v56 =	vor.u32 s28, v4;
	_ =	sdelay $0x3  }
0xca: {  	[tilespmem:v11+s19+$0x0] =	vst.idx.msk $0xffff, v9  }
0xcb: {  	v11 =	vor.u32 v5, v10;
	v9 =	vld.idx.msk [tilespmem:v56+s15+$0x0], $0xffff  }
0xcc: {  	v57 =	vor.u32 s28, v6;
	_ =	sdelay $0x3  }
0xcd: {  	[tilespmem:v11+s19+$0x0] =	vst.idx.msk $0xffff, v9  }
0xce: {  	v10 =	vor.u32 v7, v10;
	v9 =	vld.idx.msk [tilespmem:v57+s15+$0x0], $0xffff;
	_ =	sdelay $0x2  }
0xcf: {  	s28 =	spop @!p0 (v2sf)  }
0xd0: {  	s28 =	sand.u32 @!p0 $0xFFFFF80, s28  }
0xd1: {  	s29 =	simm.s32 @!p0 $0xA280;
	s28 =	sadd.s32 @!p0 s0, s28;
	[tilespmem:v10+s19+$0x0] =	vst.idx.msk $0xffff, v9  }
0xd2: {  	[tilespmem:s29], [sflag:$0x6] =	stream.strided.gather @!p0 [hbm4b:s28+s2], $0x2000, s3, s2, $0x38;
	[tilespmem:$0x18280] =	vst v63  }
0xd3: {  	_ =	swait.ge [sflag:s25], $0x2000  }
0xd4: {  	(v2sf) =	vpush v8, $0x6;
	_ =	sdelay $0xe  }
0xd5: {  	s29 =	spop (v2sf)  }
0xd6: {  	s28 =	sand.u32 $0x7F, s29  }
0xd7: {  	s29 =	sadd.s32 $0xFFFFFFFF, s1;
	v9 =	vor.u32 s28, v0  }
0xd8: {  	v10 =	vmov s29  }
0xd9: {  	v11 =	vshll.u32 v10, $0x3  }
0xda: {  	[sflag:s25] =	ssyncset.done $0x0;
	v10 =	vand.u32 $0x7E, v10;
	v11 =	vand.u32 $0xC00, v11  }
0xdb: {  	[sflag:s25] =	ssyncadd.s32 $0xFFFFE000;
	v10 =	vor.u32 v10, v11  }
0xdc: {  	v11 =	vor.u32 v1, v10;
	v9 =	vld.idx.msk [tilespmem:v9+s16+$0x0], $0xffff  }
0xdd: {  	v58 =	vor.u32 s28, v2;
	_ =	sdelay $0x3  }
0xde: {  	[tilespmem:v11+s19+$0x0] =	vst.idx.msk $0xffff, v9  }
0xdf: {  	(v2sf) =	vpush @!p0 v8, $0xE;
	v11 =	vor.u32 v3, v10;
	v9 =	vld.idx.msk [tilespmem:v58+s16+$0x0], $0xffff  }
0xe0: {  	v59 =	vor.u32 s28, v4;
	_ =	sdelay $0x3  }
0xe1: {  	[tilespmem:v11+s19+$0x0] =	vst.idx.msk $0xffff, v9  }
0xe2: {  	v11 =	vor.u32 v5, v10;
	v9 =	vld.idx.msk [tilespmem:v59+s16+$0x0], $0xffff  }
0xe3: {  	v60 =	vor.u32 s28, v6;
	_ =	sdelay $0x3  }
0xe4: {  	[tilespmem:v11+s19+$0x0] =	vst.idx.msk $0xffff, v9  }
0xe5: {  	v10 =	vor.u32 v7, v10;
	v9 =	vld.idx.msk [tilespmem:v60+s16+$0x0], $0xffff;
	_ =	sdelay $0x2  }
0xe6: {  	s28 =	spop @!p0 (v2sf)  }
0xe7: {  	s28 =	sand.u32 @!p0 $0xFFFFF80, s28  }
0xe8: {  	s29 =	simm.s32 @!p0 $0xC280;
	s28 =	sadd.s32 @!p0 s0, s28;
	[tilespmem:v10+s19+$0x0] =	vst.idx.msk $0xffff, v9  }
0xe9: {  	[tilespmem:s29], [sflag:$0x7] =	stream.strided.gather @!p0 [hbm4b:s28+s2], $0x2000, s3, s2, $0x38;
	[tilespmem:$0x18280] =	vst v63  }
0xea: {  	_ =	swait.ge [sflag:s26], $0x2000  }
0xeb: {  	(v2sf) =	vpush v8, $0x7;
	_ =	sdelay $0xe  }
0xec: {  	s29 =	spop (v2sf)  }
0xed: {  	s2 =	sand.u32 $0x7F, s29  }
0xee: {  	v9 =	vor.u32 s2, v0  }
0xef: {  	v10 =	vmov s1  }
0xf0: {  	v11 =	vshll.u32 v10, $0x3  }
0xf1: {  	v10 =	vand.u32 $0x7F, v10;
	v11 =	vand.u32 $0xC00, v11;
	[sflag:s26] =	ssyncset.done $0x0  }
0xf2: {  	v10 =	vor.u32 v10, v11;
	[sflag:s26] =	ssyncadd.s32 $0xFFFFE000  }
0xf3: {  	v11 =	vor.u32 v1, v10;
	v9 =	vld.idx.msk [tilespmem:v9+s17+$0x0], $0xffff  }
0xf4: {  	v61 =	vor.u32 s2, v2;
	_ =	sdelay $0x3  }
0xf5: {  	[tilespmem:v11+s19+$0x0] =	vst.idx.msk $0xffff, v9  }
0xf6: {  	v11 =	vor.u32 v3, v10;
	v9 =	vld.idx.msk [tilespmem:v61+s17+$0x0], $0xffff  }
0xf7: {  	v62 =	vor.u32 s2, v4;
	_ =	sdelay $0x3  }
0xf8: {  	[tilespmem:v11+s19+$0x0] =	vst.idx.msk $0xffff, v9  }
0xf9: {  	v11 =	vor.u32 v5, v10;
	v9 =	vld.idx.msk [tilespmem:v62+s17+$0x0], $0xffff  }
0xfa: {  	v63 =	vor.u32 s2, v6;
	_ =	sdelay $0x3  }
0xfb: {  	[tilespmem:v11+s19+$0x0] =	vst.idx.msk $0xffff, v9  }
0xfc: {  	v10 =	vor.u32 v7, v10;
	v9 =	vld.idx.msk [tilespmem:v63+s17+$0x0], $0xffff  }
.Ltmp2:
0xfd: {  	_ = 	snop;
	(pc) =	sbr.rel @p0 .LBB2_4-.Ltmp2, $2  }
0xfe: {  	_ =	sdelay $0x2  }
0xff: {  	[tilespmem:v10+s19+$0x0] =	vst.idx.msk $0xffff, v9  }
0x100: {  	(v2sf) =	vpush v8, $0xF;
	_ =	sdelay $0xd  }
.Ltmp3:
0x101: {  	_ = 	snop;
	(pc) =	sbr.rel .LBB2_2-.Ltmp3, $4  }
0x102: {  	s2 =	spop (v2sf)  }
0x103: {  	s2 =	sand.u32 $0xFFFFF80, s2  }
0x104: {  	s1 =	sadd.s32 $0x8, s1;
	s31 =	sadd.s32 $0x8, s31;
	s2 =	sadd.s32 s0, s2  }
0x105: {  	[tilespmem:s17], [sflag:$0x8] =	stream.strided.gather [hbm4b:s2+s9], $0x2000, s8, s9, $0x38;
	[tilespmem:$0x18280] =	vst v63  }
.LBB2_5:
0x106: {  	_ =	sfence.sel $0x180000  }
0x107: {  	[bflag:$0x0] =	sbarrier.arrive $0xFFFF  }
0x108: {  	_ =	strace $0x90000047  }
0x109: {  	s0 =	stileid.u32;
	[bflag:$0x2] =	sbarrier.arrive $0xFFFF  }
0x10a: {  	p0 =	sne.s32 s0, $0x0;
	s0 =	rddreg [dreg:$0x3]  }
0x10b: {  	s0 =	sadd.s32 @!p0 $0x100000, s0  }
0x10c: {  	[sflag:s0] =	ssyncadd.tile.s32 @!p0 $0x1;
	_ =	shalt  }
.Lfunc_end2:
_tile_overlayer_lowered:
.L_overlay_start_2:
0x10d: {  	(tag) =	ssettag $0x2  }
0x10e: {  	s0 =	rddreg [dreg:$0x0];
	s2 =	stileid.u32  }
0x10f: {  	s1 =	rddreg [dreg:$0x1];
	p0 =	sne.s32 s2, $0x0  }
0x110: {  	s3 =	rddreg [dreg:$0x2];
	[bflag:$0x3] =	sbarrier.arrive $0xFFFF;
	s2 =	simm.s32 @!p0 $0x1C09  }
0x111: {  	[timem:s3], [sflag:s2] =	dma.local @!p0 [hbm:s0], s1  }
0x112: {  	s0 =	simm.s32 @!p0 $0x9  }
0x113: {  	_ =	swait.ge @!p0 [sflag:s0], s1  }
0x114: {  	s1 =	ssub.s32 @!p0 $0x0, s1;
	[sflag:s0] =	ssyncset.done @!p0 $0x0  }
0x115: {  	[sflag:s0] =	ssyncadd.s32 @!p0 s1  }
0x116: {  	[bflag:$0x3] =	sbarrier.arrive $0xFFFF  }
0x117: {  	_ =	shalt  }

</sc_bundles>
